<compile_context>
chip_gen: v7x
topology: tpu7x:2x2x1
jax: 0.10.2.dev20260603
libtpu: 0.0.44.dev20260713+nightly
codegen_flags: <defaults>
</compile_context>

<pallas_src>
import functools

import jax
import jax.numpy as jnp
from jax import lax
from jax.experimental import pallas as pl
from jax.experimental.pallas import tpu as pltpu
from jax.experimental.pallas import tpu_sc as plsc

N_NODES = 10000
N_EDGES = 320000
D_IN = 128
D_HID = 100
D_PAD = 112
N_CLASSES = 10

NC = 2
NS = 16
NW = NC * NS
E_PER_W = N_EDGES // NW
CHUNK = 80
NCHUNK = E_PER_W // CHUNK
NPAD1 = 10240
STRIPE1 = NPAD1 // NS
RSTRIPE = N_NODES // NS
NBUF = 3
LOOKAHEAD = 2

_mesh = plsc.VectorSubcoreMesh(core_axis_name="c", subcore_axis_name="s")
_sc_params = pltpu.CompilerParams(needs_layout_passes=False,
                                  use_tc_tiling_on_sc=False)


@functools.partial(
    pl.kernel,
    out_type=jax.ShapeDtypeStruct((NC, NPAD1), jnp.float32),
    mesh=_mesh,
    compiler_params=_sc_params,
    scratch_types=[
        pltpu.VMEM((NCHUNK, CHUNK), jnp.int32),
        pltpu.VMEM((STRIPE1,), jnp.float32),
        pltpu.VMEM_SHARED((NPAD1,), jnp.float32),
    ],
)
def _deg_kernel(dst_hbm, out_hbm, dst_v, buf_v, deg_sh):
    cid = lax.axis_index("c")
    sid = lax.axis_index("s")
    wid = cid * NS + sid

    def zero_body(j, _):
        buf_v[pl.ds(j * 16, 16)] = jnp.zeros((16,), jnp.float32)
        return 0

    lax.fori_loop(0, STRIPE1 // 16, zero_body, 0)
    pltpu.sync_copy(buf_v, deg_sh.at[pl.ds(sid * STRIPE1, STRIPE1)])
    pltpu.sync_copy(dst_hbm.at[wid], dst_v)

    def ones_body(j, _):
        buf_v[pl.ds(j * 16, 16)] = jnp.full((16,), 1.0, jnp.float32)
        return 0

    lax.fori_loop(0, CHUNK // 16, ones_body, 0)
    plsc.subcore_barrier()

    def edge_body(ci, _):
        pltpu.sync_copy(buf_v.at[pl.ds(0, CHUNK)], deg_sh.at[dst_v.at[ci]],
                        add=True)
        return 0

    lax.fori_loop(0, NCHUNK, edge_body, 0)
    plsc.subcore_barrier()
    pltpu.sync_copy(deg_sh.at[pl.ds(sid * STRIPE1, STRIPE1)],
                    out_hbm.at[cid, pl.ds(sid * STRIPE1, STRIPE1)])


def _mm_body(x_ref, w1_ref, h_ref):
    h_ref[...] = jnp.dot(x_ref[...], w1_ref[...],
                         preferred_element_type=jnp.float32)


def _scale_body(degt_ref, h_ref, g_ref, dis_ref):
    deg = degt_ref[:, 0] + degt_ref[:, 1] + 1.0
    dis = lax.rsqrt(deg)
    g_ref[...] = h_ref[...] * dis[:, None]
    dis_ref[...] = dis[:, None]


@functools.partial(
    pl.kernel,
    out_type=[
        jax.ShapeDtypeStruct((NC, N_NODES, D_PAD), jnp.float32),
        jax.ShapeDtypeStruct((NC, NPAD1), jnp.float32),
    ],
    mesh=_mesh,
    compiler_params=_sc_params,
    scratch_types=[
        pltpu.VMEM((NCHUNK, CHUNK), jnp.int32),
        pltpu.VMEM((NCHUNK, CHUNK), jnp.int32),
        pltpu.VMEM((N_NODES,), jnp.float32),
        [pltpu.VMEM((CHUNK, D_PAD), jnp.float32) for _ in range(NBUF)],
        [pltpu.VMEM((CHUNK,), jnp.float32) for _ in range(NBUF)],
        pltpu.VMEM((STRIPE1,), jnp.float32),
        pltpu.VMEM_SHARED((N_NODES, D_PAD), jnp.float32),
        pltpu.VMEM_SHARED((NPAD1,), jnp.float32),
        [pltpu.SemaphoreType.DMA for _ in range(NBUF)],
        [pltpu.SemaphoreType.DMA for _ in range(NBUF)],
    ],
)
def _edge_kernel(src_hbm, dst_hbm, g_hbm, dis_hbm, agg_out, s_out,
                 src_v, dst_v, dis_v, bufs, vals, zbuf_v,
                 agg_sh, s_sh, gsem, ssem):
    cid = lax.axis_index("c")
    sid = lax.axis_index("s")
    wid = cid * NS + sid

    def zrow_body(r, _):
        for k in range(D_PAD // 16):
            bufs[0][r, pl.ds(k * 16, 16)] = jnp.zeros((16,), jnp.float32)
        return 0

    lax.fori_loop(0, CHUNK, zrow_body, 0)

    def zs_body(j, _):
        zbuf_v[pl.ds(j * 16, 16)] = jnp.zeros((16,), jnp.float32)
        return 0

    lax.fori_loop(0, STRIPE1 // 16, zs_body, 0)

    for b in range(RSTRIPE // CHUNK):
        pltpu.sync_copy(bufs[0],
                        agg_sh.at[pl.ds(sid * RSTRIPE + b * CHUNK, CHUNK)])
    _tail = RSTRIPE - (RSTRIPE // CHUNK) * CHUNK
    pltpu.sync_copy(
        bufs[0].at[pl.ds(0, _tail)],
        agg_sh.at[pl.ds(sid * RSTRIPE + (RSTRIPE // CHUNK) * CHUNK, _tail)])
    pltpu.sync_copy(zbuf_v, s_sh.at[pl.ds(sid * STRIPE1, STRIPE1)])

    pltpu.sync_copy(src_hbm.at[wid], src_v)
    pltpu.sync_copy(dst_hbm.at[wid], dst_v)
    pltpu.sync_copy(dis_hbm, dis_v)
    plsc.subcore_barrier()

    def _wait_pair(b):
        pltpu.make_async_copy(bufs[b], agg_sh.at[dst_v.at[0]], ssem[b]).wait()
        pltpu.make_async_copy(vals[b], s_sh.at[src_v.at[0]], ssem[b]).wait()

    def _consume(c, b):
        pltpu.make_async_copy(g_hbm.at[src_v.at[c]], bufs[b], gsem[b]).wait()
        for j in range(CHUNK // 16):
            d16 = dst_v[c, pl.ds(j * 16, 16)]
            vals[b][pl.ds(j * 16, 16)] = plsc.load_gather(dis_v, [d16])
        pltpu.async_copy(bufs[b], agg_sh.at[dst_v.at[c]], ssem[b], add=True)
        pltpu.async_copy(vals[b], s_sh.at[src_v.at[c]], ssem[b], add=True)

    for c in range(LOOKAHEAD):
        pltpu.async_copy(g_hbm.at[src_v.at[c]], bufs[c % NBUF], gsem[c % NBUF])

    def edge_body(k, _):
        for b in range(NBUF):
            c = k * NBUF + b
            _consume(c, b)
            cn = c + LOOKAHEAD
            bn = (b + LOOKAHEAD) % NBUF

            @pl.when(cn < NCHUNK)
            def _():
                @pl.when(cn >= NBUF)
                def _():
                    _wait_pair(bn)

                pltpu.async_copy(g_hbm.at[src_v.at[cn]], bufs[bn], gsem[bn])

        return 0

    nfull = NCHUNK // NBUF
    lax.fori_loop(0, nfull, edge_body, 0)
    for b in range(NCHUNK - nfull * NBUF):
        _consume(nfull * NBUF + b, b)
    for b in range(NBUF):
        _wait_pair(b)
    plsc.subcore_barrier()

    sl = pl.ds(sid * RSTRIPE, RSTRIPE)
    pltpu.sync_copy(agg_sh.at[sl], agg_out.at[cid, sl])
    pltpu.sync_copy(s_sh.at[pl.ds(sid * STRIPE1, STRIPE1)],
                    s_out.at[cid, pl.ds(sid * STRIPE1, STRIPE1)])


def _fin_body(aggp_ref, g_ref, dis_ref, st_ref, b1_ref, w2_ref, b2_ref,
              out_ref, acc_ref):
    i = pl.program_id(0)
    nb = pl.num_programs(0)
    agg = aggp_ref[0] + aggp_ref[1] + g_ref[...]
    dis = dis_ref[...]
    h1 = jnp.maximum(agg * dis + b1_ref[...], 0.0)
    srow = st_ref[:, 0] + st_ref[:, 1]
    c = dis[:, 0] * (srow + dis[:, 0])
    contrib = jnp.dot(c[None, :], h1, preferred_element_type=jnp.float32)

    @pl.when(i == 0)
    def _():
        acc_ref[...] = contrib

    @pl.when(i > 0)
    def _():
        acc_ref[...] = acc_ref[...] + contrib

    @pl.when(i == nb - 1)
    def _():
        v = acc_ref[...]
        pooled = (jnp.dot(v, w2_ref[...], preferred_element_type=jnp.float32)
                  / float(N_NODES)) + b2_ref[...]
        m = jnp.max(pooled, axis=1, keepdims=True)
        lse = jnp.log(jnp.sum(jnp.exp(pooled - m), axis=1, keepdims=True)) + m
        out_ref[...] = pooled - lse


def kernel(x, edge_index, W1, b1, W2, b2):
    f32 = jnp.float32
    src = edge_index[0].astype(jnp.int32).reshape(NW, NCHUNK, CHUNK)
    dst = edge_index[1].astype(jnp.int32).reshape(NW, NCHUNK, CHUNK)
    W1p = jnp.pad(W1.astype(f32), ((0, 0), (0, D_PAD - D_HID)))
    b1p = jnp.pad(b1.astype(f32), (0, D_PAD - D_HID)).reshape(1, D_PAD)
    W2p = jnp.pad(W2.astype(f32), ((0, D_PAD - D_HID), (0, 0)))
    b2r = b2.astype(f32).reshape(1, N_CLASSES)

    deg_parts = _deg_kernel(dst)
    deg_t = deg_parts[:, :N_NODES].T

    BR = 2000
    grid = (N_NODES // BR,)
    h = pl.pallas_call(
        _mm_body,
        grid=grid,
        in_specs=[
            pl.BlockSpec((BR, D_IN), lambda i: (i, 0)),
            pl.BlockSpec((D_IN, D_PAD), lambda i: (0, 0)),
        ],
        out_specs=pl.BlockSpec((BR, D_PAD), lambda i: (i, 0)),
        out_shape=jax.ShapeDtypeStruct((N_NODES, D_PAD), f32),
    )(x.astype(f32), W1p)
    g, dis2 = pl.pallas_call(
        _scale_body,
        grid=grid,
        in_specs=[
            pl.BlockSpec((BR, NC), lambda i: (i, 0)),
            pl.BlockSpec((BR, D_PAD), lambda i: (i, 0)),
        ],
        out_specs=[
            pl.BlockSpec((BR, D_PAD), lambda i: (i, 0)),
            pl.BlockSpec((BR, 1), lambda i: (i, 0)),
        ],
        out_shape=[
            jax.ShapeDtypeStruct((N_NODES, D_PAD), f32),
            jax.ShapeDtypeStruct((N_NODES, 1), f32),
        ],
    )(deg_t, h)

    agg_parts, s_parts = _edge_kernel(src, dst, g, dis2.reshape(N_NODES))
    s_t = s_parts[:, :N_NODES].T

    out = pl.pallas_call(
        _fin_body,
        grid=grid,
        in_specs=[
            pl.BlockSpec((NC, BR, D_PAD), lambda i: (0, i, 0)),
            pl.BlockSpec((BR, D_PAD), lambda i: (i, 0)),
            pl.BlockSpec((BR, 1), lambda i: (i, 0)),
            pl.BlockSpec((BR, NC), lambda i: (i, 0)),
            pl.BlockSpec((1, D_PAD), lambda i: (0, 0)),
            pl.BlockSpec((D_PAD, N_CLASSES), lambda i: (0, 0)),
            pl.BlockSpec((1, N_CLASSES), lambda i: (0, 0)),
        ],
        out_specs=pl.BlockSpec((1, N_CLASSES), lambda i: (0, 0)),
        out_shape=jax.ShapeDtypeStruct((1, N_CLASSES), f32),
        scratch_shapes=[pltpu.VMEM((1, D_PAD), f32)],
    )(agg_parts, g, dis2, s_t, b1p, W2p, b2r)
    return out

# --- scband reference (transcript-rebuilt; emitter-appended) ---
"""Pipeline reference for scband-net-17549236372085 (READ-ONLY COPY).

The authoritative reference and input builder live on the scoring server;
editing this copy changes nothing except your own understanding.
"""

import jax, jax.numpy as jnp
import numpy as np

N_NODES = 10000
N_EDGES = 320000
D_IN = 128
D_HID = 100
N_CLASSES = 10


def setup_inputs(seed: int = 0) -> dict:
    key = jax.random.key(seed)
    k1, k2, k3, k4, k5, k6 = jax.random.split(key, 6)
    x = jax.random.normal(k1, (N_NODES, D_IN), dtype=jnp.float32)
    edge_index = jax.random.randint(k2, (2, N_EDGES), 0, N_NODES, dtype=jnp.int64)
    # Glorot-style init for GCN weights
    W1 = jax.random.normal(k3, (D_IN, D_HID), dtype=jnp.float32) * (1.0 / np.sqrt(D_IN))
    b1 = jnp.zeros((D_HID,), dtype=jnp.float32)
    W2 = jax.random.normal(k4, (D_HID, N_CLASSES), dtype=jnp.float32) * (1.0 / np.sqrt(D_HID))
    b2 = jnp.zeros((N_CLASSES,), dtype=jnp.float32)
    return {"x": x, "edge_index": edge_index, "W1": W1, "b1": b1, "W2": W2, "b2": b2}


def _gcn_conv(x, src, dst, W, b, n_nodes):
    # GCNConv: symmetric normalization with self-loops (PyG default)
    deg = jnp.zeros((n_nodes,), dtype=x.dtype).at[dst].add(1.0)
    deg_inv_sqrt = jnp.where(deg > 0, jax.lax.rsqrt(deg), 0.0)
    norm = deg_inv_sqrt[src] * deg_inv_sqrt[dst]
    h = x @ W
    msg = h[src] * norm[:, None]
    out = jnp.zeros((n_nodes, W.shape[1]), dtype=x.dtype).at[dst].add(msg)
    return out + b


def reference(x, edge_index, W1, b1, W2, b2):
    n_nodes = x.shape[0]
    loop = jnp.arange(n_nodes, dtype=edge_index.dtype)
    src = jnp.concatenate([edge_index[0], loop])
    dst = jnp.concatenate([edge_index[1], loop])
    h = _gcn_conv(x, src, dst, W1, b1, n_nodes)
    h = jax.nn.relu(h)
    # dropout is identity in eval mode
    h = _gcn_conv(h, src, dst, W2, b2, n_nodes)
    # global_mean_pool with batch = zeros -> mean over all nodes, one graph
    pooled = jnp.mean(h, axis=0, keepdims=True)
    return jax.nn.log_softmax(pooled, axis=1)

if __name__ == "__main__":
    import jax
    _d = setup_inputs()
    print(jax.jit(kernel)(*tuple(_d.values())))

</pallas_src>

<mosaic_0001>
#map = affine_map<(d0, d1) -> (0, 0, 0)>
#map1 = affine_map<(d0, d1) -> (0, 0)>
#map2 = affine_map<(d0, d1) -> (0)>
module attributes {stable_mosaic.version = 14 : i64} {
  func.func @_edge_kernel(%arg0: i32, %arg1: i32, %arg2: memref<32x125x80xi32, #tpu.memory_space<hbm>>, %arg3: memref<32x125x80xi32, #tpu.memory_space<hbm>>, %arg4: memref<10000x112xf32, #tpu.memory_space<hbm>>, %arg5: memref<10000xf32, #tpu.memory_space<hbm>>, %arg6: memref<2x10000x112xf32, #tpu.memory_space<hbm>>, %arg7: memref<2x10240xf32, #tpu.memory_space<hbm>>, %arg8: memref<125x80xi32, #tpu.memory_space<vmem>>, %arg9: memref<125x80xi32, #tpu.memory_space<vmem>>, %arg10: memref<10000xf32, #tpu.memory_space<vmem>>, %arg11: memref<80x112xf32, #tpu.memory_space<vmem>>, %arg12: memref<80x112xf32, #tpu.memory_space<vmem>>, %arg13: memref<80x112xf32, #tpu.memory_space<vmem>>, %arg14: memref<80xf32, #tpu.memory_space<vmem>>, %arg15: memref<80xf32, #tpu.memory_space<vmem>>, %arg16: memref<80xf32, #tpu.memory_space<vmem>>, %arg17: memref<640xf32, #tpu.memory_space<vmem>>, %arg18: memref<10000x112xf32, #tpu.memory_space<vmem_shared>>, %arg19: memref<10240xf32, #tpu.memory_space<vmem_shared>>, %arg20: memref<!tpu.dma_semaphore, #tpu.memory_space<semaphore_mem>>, %arg21: memref<!tpu.dma_semaphore, #tpu.memory_space<semaphore_mem>>, %arg22: memref<!tpu.dma_semaphore, #tpu.memory_space<semaphore_mem>>, %arg23: memref<!tpu.dma_semaphore, #tpu.memory_space<semaphore_mem>>, %arg24: memref<!tpu.dma_semaphore, #tpu.memory_space<semaphore_mem>>, %arg25: memref<!tpu.dma_semaphore, #tpu.memory_space<semaphore_mem>>) attributes {dimension_semantics = [#tpu.dimension_semantics<core_parallel>, #tpu.dimension_semantics<subcore_parallel>], iteration_bounds = array<i64: 2, 16>, scalar_prefetch = 0 : i64, scratch_operands = 18 : i64, tpu.core_type = #tpu.core_type<sc_vector_subcore>, window_params = [{transform_indices = #map}, {transform_indices = #map}, {transform_indices = #map1}, {transform_indices = #map2}, {transform_indices = #map}, {transform_indices = #map1}]} {
    %mul3A = arith.constant 16 : i32
    %mul3A_0 = arith.muli %arg0, %mul3A : i32
    %add3A = arith.addi %mul3A_0, %arg1 : i32
    %scan3A = arith.constant 0 : i32
    %scan3A_1 = arith.constant 0 : i32
    %scan3A_2 = arith.constant 80 : i32
    %scan3A_3 = arith.addi %scan3A_1, %scan3A_2 : i32
    %scan3A_4 = arith.constant 1 : i32
    %scan3A_5 = scf.for %scan3A_220 = %scan3A_1 to %scan3A_3 step %scan3A_4 iter_args(%scan3A_221 = %scan3A) -> (i32)  : i32 {
      %broadcast_in_dim3A = arith.constant 0.000000e+00 : f32
      %broadcast_in_dim3A_222 = vector.broadcast %broadcast_in_dim3A : f32 to vector<16xf32>
      %swap3A_223 = arith.index_cast %scan3A_220 : i32 to index
      %swap3A_224 = arith.constant 0 : index
      %swap3A_225 = tpu.vector_load %arg11[%swap3A_223, %swap3A_224] {strides = array<i32>} : memref<80x112xf32, #tpu.memory_space<vmem>>, vector<16xf32>,
      tpu.vector_store %arg11[%swap3A_223, %swap3A_224], %broadcast_in_dim3A_222 {strides = array<i32>} : memref<80x112xf32, #tpu.memory_space<vmem>>, vector<16xf32>,
      %broadcast_in_dim3A_226 = arith.constant 0.000000e+00 : f32
      %broadcast_in_dim3A_227 = vector.broadcast %broadcast_in_dim3A_226 : f32 to vector<16xf32>
      %swap3A_228 = arith.index_cast %scan3A_220 : i32 to index
      %swap3A_229 = arith.constant 16 : index
      %swap3A_230 = tpu.vector_load %arg11[%swap3A_228, %swap3A_229] {strides = array<i32>} : memref<80x112xf32, #tpu.memory_space<vmem>>, vector<16xf32>,
      tpu.vector_store %arg11[%swap3A_228, %swap3A_229], %broadcast_in_dim3A_227 {strides = array<i32>} : memref<80x112xf32, #tpu.memory_space<vmem>>, vector<16xf32>,
      %broadcast_in_dim3A_231 = arith.constant 0.000000e+00 : f32
      %broadcast_in_dim3A_232 = vector.broadcast %broadcast_in_dim3A_231 : f32 to vector<16xf32>
      %swap3A_233 = arith.index_cast %scan3A_220 : i32 to index
      %swap3A_234 = arith.constant 32 : index
      %swap3A_235 = tpu.vector_load %arg11[%swap3A_233, %swap3A_234] {strides = array<i32>} : memref<80x112xf32, #tpu.memory_space<vmem>>, vector<16xf32>,
      tpu.vector_store %arg11[%swap3A_233, %swap3A_234], %broadcast_in_dim3A_232 {strides = array<i32>} : memref<80x112xf32, #tpu.memory_space<vmem>>, vector<16xf32>,
      %broadcast_in_dim3A_236 = arith.constant 0.000000e+00 : f32
      %broadcast_in_dim3A_237 = vector.broadcast %broadcast_in_dim3A_236 : f32 to vector<16xf32>
      %swap3A_238 = arith.index_cast %scan3A_220 : i32 to index
      %swap3A_239 = arith.constant 48 : index
      %swap3A_240 = tpu.vector_load %arg11[%swap3A_238, %swap3A_239] {strides = array<i32>} : memref<80x112xf32, #tpu.memory_space<vmem>>, vector<16xf32>,
      tpu.vector_store %arg11[%swap3A_238, %swap3A_239], %broadcast_in_dim3A_237 {strides = array<i32>} : memref<80x112xf32, #tpu.memory_space<vmem>>, vector<16xf32>,
      %broadcast_in_dim3A_241 = arith.constant 0.000000e+00 : f32
      %broadcast_in_dim3A_242 = vector.broadcast %broadcast_in_dim3A_241 : f32 to vector<16xf32>
      %swap3A_243 = arith.index_cast %scan3A_220 : i32 to index
      %swap3A_244 = arith.constant 64 : index
      %swap3A_245 = tpu.vector_load %arg11[%swap3A_243, %swap3A_244] {strides = array<i32>} : memref<80x112xf32, #tpu.memory_space<vmem>>, vector<16xf32>,
      tpu.vector_store %arg11[%swap3A_243, %swap3A_244], %broadcast_in_dim3A_242 {strides = array<i32>} : memref<80x112xf32, #tpu.memory_space<vmem>>, vector<16xf32>,
      %broadcast_in_dim3A_246 = arith.constant 0.000000e+00 : f32
      %broadcast_in_dim3A_247 = vector.broadcast %broadcast_in_dim3A_246 : f32 to vector<16xf32>
      %swap3A_248 = arith.index_cast %scan3A_220 : i32 to index
      %swap3A_249 = arith.constant 80 : index
      %swap3A_250 = tpu.vector_load %arg11[%swap3A_248, %swap3A_249] {strides = array<i32>} : memref<80x112xf32, #tpu.memory_space<vmem>>, vector<16xf32>,
      tpu.vector_store %arg11[%swap3A_248, %swap3A_249], %broadcast_in_dim3A_247 {strides = array<i32>} : memref<80x112xf32, #tpu.memory_space<vmem>>, vector<16xf32>,
      %broadcast_in_dim3A_251 = arith.constant 0.000000e+00 : f32
      %broadcast_in_dim3A_252 = vector.broadcast %broadcast_in_dim3A_251 : f32 to vector<16xf32>
      %swap3A_253 = arith.index_cast %scan3A_220 : i32 to index
      %swap3A_254 = arith.constant 96 : index
      %swap3A_255 = tpu.vector_load %arg11[%swap3A_253, %swap3A_254] {strides = array<i32>} : memref<80x112xf32, #tpu.memory_space<vmem>>, vector<16xf32>,
      tpu.vector_store %arg11[%swap3A_253, %swap3A_254], %broadcast_in_dim3A_252 {strides = array<i32>} : memref<80x112xf32, #tpu.memory_space<vmem>>, vector<16xf32>,
      %scan3A_256 = arith.constant 0 : i32
      scf.yield %scan3A_256 : i32
    }
    %scan3A_6 = arith.constant 80 : i32
    %scan3A_7 = arith.constant 0 : i32
    %scan3A_8 = arith.constant 0 : i32
    %scan3A_9 = arith.constant 40 : i32
    %scan3A_10 = arith.addi %scan3A_8, %scan3A_9 : i32
    %scan3A_11 = arith.constant 1 : i32
    %scan3A_12 = scf.for %scan3A_220 = %scan3A_8 to %scan3A_10 step %scan3A_11 iter_args(%scan3A_221 = %scan3A_7) -> (i32)  : i32 {
      %broadcast_in_dim3A = arith.constant 0.000000e+00 : f32
      %broadcast_in_dim3A_222 = vector.broadcast %broadcast_in_dim3A : f32 to vector<16xf32>
      %mul3A_223 = arith.constant 16 : i32
      %mul3A_224 = arith.muli %scan3A_220, %mul3A_223 : i32
      %swap3A_225 = arith.index_cast %mul3A_224 : i32 to index
      %swap3A_226 = tpu.vector_load %arg17[%swap3A_225] {strides = array<i32>} : memref<640xf32, #tpu.memory_space<vmem>>, vector<16xf32>,
      tpu.vector_store %arg17[%swap3A_225], %broadcast_in_dim3A_222 {strides = array<i32>} : memref<640xf32, #tpu.memory_space<vmem>>, vector<16xf32>,
      %scan3A_227 = arith.constant 0 : i32
      scf.yield %scan3A_227 : i32
    }
    %scan3A_13 = arith.constant 40 : i32
    %mul3A_14 = arith.constant 625 : i32
    %mul3A_15 = arith.muli %arg1, %mul3A_14 : i32
    %add3A_16 = arith.constant 0 : i32
    %add3A_17 = arith.addi %mul3A_15, %add3A_16 : i32
    "tpu.region"() ({
      %run_scoped3A = tpu.sem_alloc : memref<!tpu.dma_semaphore, #tpu.memory_space<semaphore_mem>>
      %dma_start3A_220 = arith.constant 0 : i32
      %dma_start3A_221 = tpu.memref_slice %arg18[%add3A_17, %dma_start3A_220] : memref<10000x112xf32, #tpu.memory_space<vmem_shared>> -> memref<80x112xf32, #tpu.memory_space<vmem_shared>>
      %dma_start3A_222 = arith.constant 0 : i32
      %dma_start3A_223 = tpu.memref_slice %arg18[%add3A_17, %dma_start3A_222] : memref<10000x112xf32, #tpu.memory_space<vmem_shared>> -> memref<80x112xf32, #tpu.memory_space<vmem_shared>>
      tpu.enqueue_dma source(%arg11 : memref<80x112xf32, #tpu.memory_space<vmem>>) target(%dma_start3A_223 : memref<80x112xf32, #tpu.memory_space<vmem_shared>>) target_semaphore(%run_scoped3A : memref<!tpu.dma_semaphore, #tpu.memory_space<semaphore_mem>>)
      %dma_wait3A_224 = arith.constant 0 : i32
      %dma_wait3A_225 = tpu.memref_slice %arg18[%add3A_17, %dma_wait3A_224] : memref<10000x112xf32, #tpu.memory_space<vmem_shared>> -> memref<80x112xf32, #tpu.memory_space<vmem_shared>>
      %dma_wait3A_226 = arith.constant 0 : i32
      %dma_wait3A_227 = tpu.memref_slice %arg18[%add3A_17, %dma_wait3A_226] : memref<10000x112xf32, #tpu.memory_space<vmem_shared>> -> memref<80x112xf32, #tpu.memory_space<vmem_shared>>
      tpu.wait_dma2 semaphore(%run_scoped3A : memref<!tpu.dma_semaphore, #tpu.memory_space<semaphore_mem>>) src(%arg11 : memref<80x112xf32, #tpu.memory_space<vmem>>) dst(%dma_wait3A_227 : memref<80x112xf32, #tpu.memory_space<vmem_shared>>)
      tpu.yield
    }) : () -> ()
    %mul3A_18 = arith.constant 625 : i32
    %mul3A_19 = arith.muli %arg1, %mul3A_18 : i32
    %add3A_20 = arith.constant 80 : i32
    %add3A_21 = arith.addi %mul3A_19, %add3A_20 : i32
    "tpu.region"() ({
      %run_scoped3A = tpu.sem_alloc : memref<!tpu.dma_semaphore, #tpu.memory_space<semaphore_mem>>
      %dma_start3A_220 = arith.constant 0 : i32
      %dma_start3A_221 = tpu.memref_slice %arg18[%add3A_21, %dma_start3A_220] : memref<10000x112xf32, #tpu.memory_space<vmem_shared>> -> memref<80x112xf32, #tpu.memory_space<vmem_shared>>
      %dma_start3A_222 = arith.constant 0 : i32
      %dma_start3A_223 = tpu.memref_slice %arg18[%add3A_21, %dma_start3A_222] : memref<10000x112xf32, #tpu.memory_space<vmem_shared>> -> memref<80x112xf32, #tpu.memory_space<vmem_shared>>
      tpu.enqueue_dma source(%arg11 : memref<80x112xf32, #tpu.memory_space<vmem>>) target(%dma_start3A_223 : memref<80x112xf32, #tpu.memory_space<vmem_shared>>) target_semaphore(%run_scoped3A : memref<!tpu.dma_semaphore, #tpu.memory_space<semaphore_mem>>)
      %dma_wait3A_224 = arith.constant 0 : i32
      %dma_wait3A_225 = tpu.memref_slice %arg18[%add3A_21, %dma_wait3A_224] : memref<10000x112xf32, #tpu.memory_space<vmem_shared>> -> memref<80x112xf32, #tpu.memory_space<vmem_shared>>
      %dma_wait3A_226 = arith.constant 0 : i32
      %dma_wait3A_227 = tpu.memref_slice %arg18[%add3A_21, %dma_wait3A_226] : memref<10000x112xf32, #tpu.memory_space<vmem_shared>> -> memref<80x112xf32, #tpu.memory_space<vmem_shared>>
      tpu.wait_dma2 semaphore(%run_scoped3A : memref<!tpu.dma_semaphore, #tpu.memory_space<semaphore_mem>>) src(%arg11 : memref<80x112xf32, #tpu.memory_space<vmem>>) dst(%dma_wait3A_227 : memref<80x112xf32, #tpu.memory_space<vmem_shared>>)
      tpu.yield
    }) : () -> ()
    %mul3A_22 = arith.constant 625 : i32
    %mul3A_23 = arith.muli %arg1, %mul3A_22 : i32
    %add3A_24 = arith.constant 160 : i32
    %add3A_25 = arith.addi %mul3A_23, %add3A_24 : i32
    "tpu.region"() ({
      %run_scoped3A = tpu.sem_alloc : memref<!tpu.dma_semaphore, #tpu.memory_space<semaphore_mem>>
      %dma_start3A_220 = arith.constant 0 : i32
      %dma_start3A_221 = tpu.memref_slice %arg18[%add3A_25, %dma_start3A_220] : memref<10000x112xf32, #tpu.memory_space<vmem_shared>> -> memref<80x112xf32, #tpu.memory_space<vmem_shared>>
      %dma_start3A_222 = arith.constant 0 : i32
      %dma_start3A_223 = tpu.memref_slice %arg18[%add3A_25, %dma_start3A_222] : memref<10000x112xf32, #tpu.memory_space<vmem_shared>> -> memref<80x112xf32, #tpu.memory_space<vmem_shared>>
      tpu.enqueue_dma source(%arg11 : memref<80x112xf32, #tpu.memory_space<vmem>>) target(%dma_start3A_223 : memref<80x112xf32, #tpu.memory_space<vmem_shared>>) target_semaphore(%run_scoped3A : memref<!tpu.dma_semaphore, #tpu.memory_space<semaphore_mem>>)
      %dma_wait3A_224 = arith.constant 0 : i32
      %dma_wait3A_225 = tpu.memref_slice %arg18[%add3A_25, %dma_wait3A_224] : memref<10000x112xf32, #tpu.memory_space<vmem_shared>> -> memref<80x112xf32, #tpu.memory_space<vmem_shared>>
      %dma_wait3A_226 = arith.constant 0 : i32
      %dma_wait3A_227 = tpu.memref_slice %arg18[%add3A_25, %dma_wait3A_226] : memref<10000x112xf32, #tpu.memory_space<vmem_shared>> -> memref<80x112xf32, #tpu.memory_space<vmem_shared>>
      tpu.wait_dma2 semaphore(%run_scoped3A : memref<!tpu.dma_semaphore, #tpu.memory_space<semaphore_mem>>) src(%arg11 : memref<80x112xf32, #tpu.memory_space<vmem>>) dst(%dma_wait3A_227 : memref<80x112xf32, #tpu.memory_space<vmem_shared>>)
      tpu.yield
    }) : () -> ()
    %mul3A_26 = arith.constant 625 : i32
    %mul3A_27 = arith.muli %arg1, %mul3A_26 : i32
    %add3A_28 = arith.constant 240 : i32
    %add3A_29 = arith.addi %mul3A_27, %add3A_28 : i32
    "tpu.region"() ({
      %run_scoped3A = tpu.sem_alloc : memref<!tpu.dma_semaphore, #tpu.memory_space<semaphore_mem>>
      %dma_start3A_220 = arith.constant 0 : i32
      %dma_start3A_221 = tpu.memref_slice %arg18[%add3A_29, %dma_start3A_220] : memref<10000x112xf32, #tpu.memory_space<vmem_shared>> -> memref<80x112xf32, #tpu.memory_space<vmem_shared>>
      %dma_start3A_222 = arith.constant 0 : i32
      %dma_start3A_223 = tpu.memref_slice %arg18[%add3A_29, %dma_start3A_222] : memref<10000x112xf32, #tpu.memory_space<vmem_shared>> -> memref<80x112xf32, #tpu.memory_space<vmem_shared>>
      tpu.enqueue_dma source(%arg11 : memref<80x112xf32, #tpu.memory_space<vmem>>) target(%dma_start3A_223 : memref<80x112xf32, #tpu.memory_space<vmem_shared>>) target_semaphore(%run_scoped3A : memref<!tpu.dma_semaphore, #tpu.memory_space<semaphore_mem>>)
      %dma_wait3A_224 = arith.constant 0 : i32
      %dma_wait3A_225 = tpu.memref_slice %arg18[%add3A_29, %dma_wait3A_224] : memref<10000x112xf32, #tpu.memory_space<vmem_shared>> -> memref<80x112xf32, #tpu.memory_space<vmem_shared>>
      %dma_wait3A_226 = arith.constant 0 : i32
      %dma_wait3A_227 = tpu.memref_slice %arg18[%add3A_29, %dma_wait3A_226] : memref<10000x112xf32, #tpu.memory_space<vmem_shared>> -> memref<80x112xf32, #tpu.memory_space<vmem_shared>>
      tpu.wait_dma2 semaphore(%run_scoped3A : memref<!tpu.dma_semaphore, #tpu.memory_space<semaphore_mem>>) src(%arg11 : memref<80x112xf32, #tpu.memory_space<vmem>>) dst(%dma_wait3A_227 : memref<80x112xf32, #tpu.memory_space<vmem_shared>>)
      tpu.yield
    }) : () -> ()
    %mul3A_30 = arith.constant 625 : i32
    %mul3A_31 = arith.muli %arg1, %mul3A_30 : i32
    %add3A_32 = arith.constant 320 : i32
    %add3A_33 = arith.addi %mul3A_31, %add3A_32 : i32
    "tpu.region"() ({
      %run_scoped3A = tpu.sem_alloc : memref<!tpu.dma_semaphore, #tpu.memory_space<semaphore_mem>>
      %dma_start3A_220 = arith.constant 0 : i32
      %dma_start3A_221 = tpu.memref_slice %arg18[%add3A_33, %dma_start3A_220] : memref<10000x112xf32, #tpu.memory_space<vmem_shared>> -> memref<80x112xf32, #tpu.memory_space<vmem_shared>>
      %dma_start3A_222 = arith.constant 0 : i32
      %dma_start3A_223 = tpu.memref_slice %arg18[%add3A_33, %dma_start3A_222] : memref<10000x112xf32, #tpu.memory_space<vmem_shared>> -> memref<80x112xf32, #tpu.memory_space<vmem_shared>>
      tpu.enqueue_dma source(%arg11 : memref<80x112xf32, #tpu.memory_space<vmem>>) target(%dma_start3A_223 : memref<80x112xf32, #tpu.memory_space<vmem_shared>>) target_semaphore(%run_scoped3A : memref<!tpu.dma_semaphore, #tpu.memory_space<semaphore_mem>>)
      %dma_wait3A_224 = arith.constant 0 : i32
      %dma_wait3A_225 = tpu.memref_slice %arg18[%add3A_33, %dma_wait3A_224] : memref<10000x112xf32, #tpu.memory_space<vmem_shared>> -> memref<80x112xf32, #tpu.memory_space<vmem_shared>>
      %dma_wait3A_226 = arith.constant 0 : i32
      %dma_wait3A_227 = tpu.memref_slice %arg18[%add3A_33, %dma_wait3A_226] : memref<10000x112xf32, #tpu.memory_space<vmem_shared>> -> memref<80x112xf32, #tpu.memory_space<vmem_shared>>
      tpu.wait_dma2 semaphore(%run_scoped3A : memref<!tpu.dma_semaphore, #tpu.memory_space<semaphore_mem>>) src(%arg11 : memref<80x112xf32, #tpu.memory_space<vmem>>) dst(%dma_wait3A_227 : memref<80x112xf32, #tpu.memory_space<vmem_shared>>)
      tpu.yield
    }) : () -> ()
    %mul3A_34 = arith.constant 625 : i32
    %mul3A_35 = arith.muli %arg1, %mul3A_34 : i32
    %add3A_36 = arith.constant 400 : i32
    %add3A_37 = arith.addi %mul3A_35, %add3A_36 : i32
    "tpu.region"() ({
      %run_scoped3A = tpu.sem_alloc : memref<!tpu.dma_semaphore, #tpu.memory_space<semaphore_mem>>
      %dma_start3A_220 = arith.constant 0 : i32
      %dma_start3A_221 = tpu.memref_slice %arg18[%add3A_37, %dma_start3A_220] : memref<10000x112xf32, #tpu.memory_space<vmem_shared>> -> memref<80x112xf32, #tpu.memory_space<vmem_shared>>
      %dma_start3A_222 = arith.constant 0 : i32
      %dma_start3A_223 = tpu.memref_slice %arg18[%add3A_37, %dma_start3A_222] : memref<10000x112xf32, #tpu.memory_space<vmem_shared>> -> memref<80x112xf32, #tpu.memory_space<vmem_shared>>
      tpu.enqueue_dma source(%arg11 : memref<80x112xf32, #tpu.memory_space<vmem>>) target(%dma_start3A_223 : memref<80x112xf32, #tpu.memory_space<vmem_shared>>) target_semaphore(%run_scoped3A : memref<!tpu.dma_semaphore, #tpu.memory_space<semaphore_mem>>)
      %dma_wait3A_224 = arith.constant 0 : i32
      %dma_wait3A_225 = tpu.memref_slice %arg18[%add3A_37, %dma_wait3A_224] : memref<10000x112xf32, #tpu.memory_space<vmem_shared>> -> memref<80x112xf32, #tpu.memory_space<vmem_shared>>
      %dma_wait3A_226 = arith.constant 0 : i32
      %dma_wait3A_227 = tpu.memref_slice %arg18[%add3A_37, %dma_wait3A_226] : memref<10000x112xf32, #tpu.memory_space<vmem_shared>> -> memref<80x112xf32, #tpu.memory_space<vmem_shared>>
      tpu.wait_dma2 semaphore(%run_scoped3A : memref<!tpu.dma_semaphore, #tpu.memory_space<semaphore_mem>>) src(%arg11 : memref<80x112xf32, #tpu.memory_space<vmem>>) dst(%dma_wait3A_227 : memref<80x112xf32, #tpu.memory_space<vmem_shared>>)
      tpu.yield
    }) : () -> ()
    %mul3A_38 = arith.constant 625 : i32
    %mul3A_39 = arith.muli %arg1, %mul3A_38 : i32
    %add3A_40 = arith.constant 480 : i32
    %add3A_41 = arith.addi %mul3A_39, %add3A_40 : i32
    "tpu.region"() ({
      %run_scoped3A = tpu.sem_alloc : memref<!tpu.dma_semaphore, #tpu.memory_space<semaphore_mem>>
      %dma_start3A_220 = arith.constant 0 : i32
      %dma_start3A_221 = tpu.memref_slice %arg18[%add3A_41, %dma_start3A_220] : memref<10000x112xf32, #tpu.memory_space<vmem_shared>> -> memref<80x112xf32, #tpu.memory_space<vmem_shared>>
      %dma_start3A_222 = arith.constant 0 : i32
      %dma_start3A_223 = tpu.memref_slice %arg18[%add3A_41, %dma_start3A_222] : memref<10000x112xf32, #tpu.memory_space<vmem_shared>> -> memref<80x112xf32, #tpu.memory_space<vmem_shared>>
      tpu.enqueue_dma source(%arg11 : memref<80x112xf32, #tpu.memory_space<vmem>>) target(%dma_start3A_223 : memref<80x112xf32, #tpu.memory_space<vmem_shared>>) target_semaphore(%run_scoped3A : memref<!tpu.dma_semaphore, #tpu.memory_space<semaphore_mem>>)
      %dma_wait3A_224 = arith.constant 0 : i32
      %dma_wait3A_225 = tpu.memref_slice %arg18[%add3A_41, %dma_wait3A_224] : memref<10000x112xf32, #tpu.memory_space<vmem_shared>> -> memref<80x112xf32, #tpu.memory_space<vmem_shared>>
      %dma_wait3A_226 = arith.constant 0 : i32
      %dma_wait3A_227 = tpu.memref_slice %arg18[%add3A_41, %dma_wait3A_226] : memref<10000x112xf32, #tpu.memory_space<vmem_shared>> -> memref<80x112xf32, #tpu.memory_space<vmem_shared>>
      tpu.wait_dma2 semaphore(%run_scoped3A : memref<!tpu.dma_semaphore, #tpu.memory_space<semaphore_mem>>) src(%arg11 : memref<80x112xf32, #tpu.memory_space<vmem>>) dst(%dma_wait3A_227 : memref<80x112xf32, #tpu.memory_space<vmem_shared>>)
      tpu.yield
    }) : () -> ()
    %mul3A_42 = arith.constant 625 : i32
    %mul3A_43 = arith.muli %arg1, %mul3A_42 : i32
    %add3A_44 = arith.constant 560 : i32
    %add3A_45 = arith.addi %mul3A_43, %add3A_44 : i32
    "tpu.region"() ({
      %run_scoped3A = tpu.sem_alloc : memref<!tpu.dma_semaphore, #tpu.memory_space<semaphore_mem>>
      %dma_start3A_220 = arith.constant 0 : i32
      %dma_start3A_221 = arith.constant 0 : i32
      %dma_start3A_222 = tpu.memref_slice %arg11[%dma_start3A_220, %dma_start3A_221] : memref<80x112xf32, #tpu.memory_space<vmem>> -> memref<65x112xf32, #tpu.memory_space<vmem>>
      %dma_start3A_223 = arith.constant 0 : i32
      %dma_start3A_224 = tpu.memref_slice %arg18[%add3A_45, %dma_start3A_223] : memref<10000x112xf32, #tpu.memory_space<vmem_shared>> -> memref<65x112xf32, #tpu.memory_space<vmem_shared>>
      %dma_start3A_225 = arith.constant 0 : i32
      %dma_start3A_226 = tpu.memref_slice %arg18[%add3A_45, %dma_start3A_225] : memref<10000x112xf32, #tpu.memory_space<vmem_shared>> -> memref<65x112xf32, #tpu.memory_space<vmem_shared>>
      %dma_start3A_227 = arith.constant 0 : i32
      %dma_start3A_228 = arith.constant 0 : i32
      %dma_start3A_229 = tpu.memref_slice %arg11[%dma_start3A_227, %dma_start3A_228] : memref<80x112xf32, #tpu.memory_space<vmem>> -> memref<65x112xf32, #tpu.memory_space<vmem>>
      tpu.enqueue_dma source(%dma_start3A_229 : memref<65x112xf32, #tpu.memory_space<vmem>>) target(%dma_start3A_226 : memref<65x112xf32, #tpu.memory_space<vmem_shared>>) target_semaphore(%run_scoped3A : memref<!tpu.dma_semaphore, #tpu.memory_space<semaphore_mem>>)
      %dma_wait3A_230 = arith.constant 0 : i32
      %dma_wait3A_231 = arith.constant 0 : i32
      %dma_wait3A_232 = tpu.memref_slice %arg11[%dma_wait3A_230, %dma_wait3A_231] : memref<80x112xf32, #tpu.memory_space<vmem>> -> memref<65x112xf32, #tpu.memory_space<vmem>>
      %dma_wait3A_233 = arith.constant 0 : i32
      %dma_wait3A_234 = tpu.memref_slice %arg18[%add3A_45, %dma_wait3A_233] : memref<10000x112xf32, #tpu.memory_space<vmem_shared>> -> memref<65x112xf32, #tpu.memory_space<vmem_shared>>
      %dma_wait3A_235 = arith.constant 0 : i32
      %dma_wait3A_236 = tpu.memref_slice %arg18[%add3A_45, %dma_wait3A_235] : memref<10000x112xf32, #tpu.memory_space<vmem_shared>> -> memref<65x112xf32, #tpu.memory_space<vmem_shared>>
      %dma_wait3A_237 = arith.constant 0 : i32
      %dma_wait3A_238 = arith.constant 0 : i32
      %dma_wait3A_239 = tpu.memref_slice %arg11[%dma_wait3A_237, %dma_wait3A_238] : memref<80x112xf32, #tpu.memory_space<vmem>> -> memref<65x112xf32, #tpu.memory_space<vmem>>
      tpu.wait_dma2 semaphore(%run_scoped3A : memref<!tpu.dma_semaphore, #tpu.memory_space<semaphore_mem>>) src(%dma_wait3A_239 : memref<65x112xf32, #tpu.memory_space<vmem>>) dst(%dma_wait3A_236 : memref<65x112xf32, #tpu.memory_space<vmem_shared>>)
      tpu.yield
    }) : () -> ()
    %mul3A_46 = arith.constant 640 : i32
    %mul3A_47 = arith.muli %arg1, %mul3A_46 : i32
    "tpu.region"() ({
      %run_scoped3A = tpu.sem_alloc : memref<!tpu.dma_semaphore, #tpu.memory_space<semaphore_mem>>
      %dma_start3A_220 = tpu.memref_slice %arg19[%mul3A_47] : memref<10240xf32, #tpu.memory_space<vmem_shared>> -> memref<640xf32, #tpu.memory_space<vmem_shared>>
      %dma_start3A_221 = tpu.memref_slice %arg19[%mul3A_47] : memref<10240xf32, #tpu.memory_space<vmem_shared>> -> memref<640xf32, #tpu.memory_space<vmem_shared>>
      tpu.enqueue_dma source(%arg17 : memref<640xf32, #tpu.memory_space<vmem>>) target(%dma_start3A_221 : memref<640xf32, #tpu.memory_space<vmem_shared>>) target_semaphore(%run_scoped3A : memref<!tpu.dma_semaphore, #tpu.memory_space<semaphore_mem>>)
      %dma_wait3A_222 = tpu.memref_slice %arg19[%mul3A_47] : memref<10240xf32, #tpu.memory_space<vmem_shared>> -> memref<640xf32, #tpu.memory_space<vmem_shared>>
      %dma_wait3A_223 = tpu.memref_slice %arg19[%mul3A_47] : memref<10240xf32, #tpu.memory_space<vmem_shared>> -> memref<640xf32, #tpu.memory_space<vmem_shared>>
      tpu.wait_dma2 semaphore(%run_scoped3A : memref<!tpu.dma_semaphore, #tpu.memory_space<semaphore_mem>>) src(%arg17 : memref<640xf32, #tpu.memory_space<vmem>>) dst(%dma_wait3A_223 : memref<640xf32, #tpu.memory_space<vmem_shared>>)
      tpu.yield
    }) : () -> ()
    "tpu.region"() ({
      %run_scoped3A = tpu.sem_alloc : memref<!tpu.dma_semaphore, #tpu.memory_space<semaphore_mem>>
      %dma_start3A_220 = arith.constant 0 : i32
      %dma_start3A_221 = arith.constant 0 : i32
      %dma_start3A_222 = tpu.memref_slice %arg2[%add3A, %dma_start3A_220, %dma_start3A_221] : memref<32x125x80xi32, #tpu.memory_space<hbm>> -> memref<1x125x80xi32, #tpu.memory_space<hbm>>
      %dma_start3A_223 = tpu.memref_squeeze %dma_start3A_222 : memref<1x125x80xi32, #tpu.memory_space<hbm>> -> memref<125x80xi32, #tpu.memory_space<hbm>>
      %dma_start3A_224 = arith.constant 0 : i32
      %dma_start3A_225 = arith.constant 0 : i32
      %dma_start3A_226 = tpu.memref_slice %arg2[%add3A, %dma_start3A_224, %dma_start3A_225] : memref<32x125x80xi32, #tpu.memory_space<hbm>> -> memref<1x125x80xi32, #tpu.memory_space<hbm>>
      %dma_start3A_227 = tpu.memref_squeeze %dma_start3A_226 : memref<1x125x80xi32, #tpu.memory_space<hbm>> -> memref<125x80xi32, #tpu.memory_space<hbm>>
      tpu.enqueue_dma source(%dma_start3A_227 : memref<125x80xi32, #tpu.memory_space<hbm>>) target(%arg8 : memref<125x80xi32, #tpu.memory_space<vmem>>) target_semaphore(%run_scoped3A : memref<!tpu.dma_semaphore, #tpu.memory_space<semaphore_mem>>)
      %dma_wait3A_228 = arith.constant 0 : i32
      %dma_wait3A_229 = arith.constant 0 : i32
      %dma_wait3A_230 = tpu.memref_slice %arg2[%add3A, %dma_wait3A_228, %dma_wait3A_229] : memref<32x125x80xi32, #tpu.memory_space<hbm>> -> memref<1x125x80xi32, #tpu.memory_space<hbm>>
      %dma_wait3A_231 = tpu.memref_squeeze %dma_wait3A_230 : memref<1x125x80xi32, #tpu.memory_space<hbm>> -> memref<125x80xi32, #tpu.memory_space<hbm>>
      %dma_wait3A_232 = arith.constant 0 : i32
      %dma_wait3A_233 = arith.constant 0 : i32
      %dma_wait3A_234 = tpu.memref_slice %arg2[%add3A, %dma_wait3A_232, %dma_wait3A_233] : memref<32x125x80xi32, #tpu.memory_space<hbm>> -> memref<1x125x80xi32, #tpu.memory_space<hbm>>
      %dma_wait3A_235 = tpu.memref_squeeze %dma_wait3A_234 : memref<1x125x80xi32, #tpu.memory_space<hbm>> -> memref<125x80xi32, #tpu.memory_space<hbm>>
      tpu.wait_dma2 semaphore(%run_scoped3A : memref<!tpu.dma_semaphore, #tpu.memory_space<semaphore_mem>>) src(%dma_wait3A_235 : memref<125x80xi32, #tpu.memory_space<hbm>>) dst(%arg8 : memref<125x80xi32, #tpu.memory_space<vmem>>)
      tpu.yield
    }) : () -> ()
    "tpu.region"() ({
      %run_scoped3A = tpu.sem_alloc : memref<!tpu.dma_semaphore, #tpu.memory_space<semaphore_mem>>
      %dma_start3A_220 = arith.constant 0 : i32
      %dma_start3A_221 = arith.constant 0 : i32
      %dma_start3A_222 = tpu.memref_slice %arg3[%add3A, %dma_start3A_220, %dma_start3A_221] : memref<32x125x80xi32, #tpu.memory_space<hbm>> -> memref<1x125x80xi32, #tpu.memory_space<hbm>>
      %dma_start3A_223 = tpu.memref_squeeze %dma_start3A_222 : memref<1x125x80xi32, #tpu.memory_space<hbm>> -> memref<125x80xi32, #tpu.memory_space<hbm>>
      %dma_start3A_224 = arith.constant 0 : i32
      %dma_start3A_225 = arith.constant 0 : i32
      %dma_start3A_226 = tpu.memref_slice %arg3[%add3A, %dma_start3A_224, %dma_start3A_225] : memref<32x125x80xi32, #tpu.memory_space<hbm>> -> memref<1x125x80xi32, #tpu.memory_space<hbm>>
      %dma_start3A_227 = tpu.memref_squeeze %dma_start3A_226 : memref<1x125x80xi32, #tpu.memory_space<hbm>> -> memref<125x80xi32, #tpu.memory_space<hbm>>
      tpu.enqueue_dma source(%dma_start3A_227 : memref<125x80xi32, #tpu.memory_space<hbm>>) target(%arg9 : memref<125x80xi32, #tpu.memory_space<vmem>>) target_semaphore(%run_scoped3A : memref<!tpu.dma_semaphore, #tpu.memory_space<semaphore_mem>>)
      %dma_wait3A_228 = arith.constant 0 : i32
      %dma_wait3A_229 = arith.constant 0 : i32
      %dma_wait3A_230 = tpu.memref_slice %arg3[%add3A, %dma_wait3A_228, %dma_wait3A_229] : memref<32x125x80xi32, #tpu.memory_space<hbm>> -> memref<1x125x80xi32, #tpu.memory_space<hbm>>
      %dma_wait3A_231 = tpu.memref_squeeze %dma_wait3A_230 : memref<1x125x80xi32, #tpu.memory_space<hbm>> -> memref<125x80xi32, #tpu.memory_space<hbm>>
      %dma_wait3A_232 = arith.constant 0 : i32
      %dma_wait3A_233 = arith.constant 0 : i32
      %dma_wait3A_234 = tpu.memref_slice %arg3[%add3A, %dma_wait3A_232, %dma_wait3A_233] : memref<32x125x80xi32, #tpu.memory_space<hbm>> -> memref<1x125x80xi32, #tpu.memory_space<hbm>>
      %dma_wait3A_235 = tpu.memref_squeeze %dma_wait3A_234 : memref<1x125x80xi32, #tpu.memory_space<hbm>> -> memref<125x80xi32, #tpu.memory_space<hbm>>
      tpu.wait_dma2 semaphore(%run_scoped3A : memref<!tpu.dma_semaphore, #tpu.memory_space<semaphore_mem>>) src(%dma_wait3A_235 : memref<125x80xi32, #tpu.memory_space<hbm>>) dst(%arg9 : memref<125x80xi32, #tpu.memory_space<vmem>>)
      tpu.yield
    }) : () -> ()
    "tpu.region"() ({
      %run_scoped3A = tpu.sem_alloc : memref<!tpu.dma_semaphore, #tpu.memory_space<semaphore_mem>>
      tpu.enqueue_dma source(%arg5 : memref<10000xf32, #tpu.memory_space<hbm>>) target(%arg10 : memref<10000xf32, #tpu.memory_space<vmem>>) target_semaphore(%run_scoped3A : memref<!tpu.dma_semaphore, #tpu.memory_space<semaphore_mem>>)
      tpu.wait_dma2 semaphore(%run_scoped3A : memref<!tpu.dma_semaphore, #tpu.memory_space<semaphore_mem>>) src(%arg5 : memref<10000xf32, #tpu.memory_space<hbm>>) dst(%arg10 : memref<10000xf32, #tpu.memory_space<vmem>>)
      tpu.yield
    }) : () -> ()
    %barrier3A = arith.constant 0 : index
    tpu.barrier barrier_id(%barrier3A)
    %dma_start3A = arith.constant 0 : i32
    %dma_start3A_48 = arith.constant 0 : i32
    %dma_start3A_49 = tpu.memref_slice %arg8[%dma_start3A, %dma_start3A_48] : memref<125x80xi32, #tpu.memory_space<vmem>> -> memref<1x80xi32, #tpu.memory_space<vmem>>
    %dma_start3A_50 = tpu.memref_squeeze %dma_start3A_49 : memref<1x80xi32, #tpu.memory_space<vmem>> -> memref<80xi32, #tpu.memory_space<vmem>>
    %dma_start3A_51 = arith.constant 0 : i32
    %dma_start3A_52 = arith.constant 0 : i32
    %dma_start3A_53 = tpu.memref_slice %arg4[%dma_start3A_51, %dma_start3A_52] : memref<10000x112xf32, #tpu.memory_space<hbm>> -> memref<10000x112xf32, #tpu.memory_space<hbm>>
    tpu.enqueue_indirect_dma source(%dma_start3A_53 : memref<10000x112xf32, #tpu.memory_space<hbm>>) target(%arg11 : memref<80x112xf32, #tpu.memory_space<vmem>>) offsets(%dma_start3A_50 : memref<80xi32, #tpu.memory_space<vmem>>) semaphore(%arg20 : memref<!tpu.dma_semaphore, #tpu.memory_space<semaphore_mem>>)
    %dma_start3A_54 = arith.constant 1 : i32
    %dma_start3A_55 = arith.constant 0 : i32
    %dma_start3A_56 = tpu.memref_slice %arg8[%dma_start3A_54, %dma_start3A_55] : memref<125x80xi32, #tpu.memory_space<vmem>> -> memref<1x80xi32, #tpu.memory_space<vmem>>
    %dma_start3A_57 = tpu.memref_squeeze %dma_start3A_56 : memref<1x80xi32, #tpu.memory_space<vmem>> -> memref<80xi32, #tpu.memory_space<vmem>>
    %dma_start3A_58 = arith.constant 0 : i32
    %dma_start3A_59 = arith.constant 0 : i32
    %dma_start3A_60 = tpu.memref_slice %arg4[%dma_start3A_58, %dma_start3A_59] : memref<10000x112xf32, #tpu.memory_space<hbm>> -> memref<10000x112xf32, #tpu.memory_space<hbm>>
    tpu.enqueue_indirect_dma source(%dma_start3A_60 : memref<10000x112xf32, #tpu.memory_space<hbm>>) target(%arg12 : memref<80x112xf32, #tpu.memory_space<vmem>>) offsets(%dma_start3A_57 : memref<80xi32, #tpu.memory_space<vmem>>) semaphore(%arg21 : memref<!tpu.dma_semaphore, #tpu.memory_space<semaphore_mem>>)
    %scan3A_61 = arith.constant 0 : i32
    %scan3A_62 = arith.constant 0 : i32
    %scan3A_63 = arith.constant 41 : i32
    %scan3A_64 = arith.addi %scan3A_62, %scan3A_63 : i32
    %scan3A_65 = arith.constant 1 : i32
    %scan3A_66 = scf.for %scan3A_220 = %scan3A_62 to %scan3A_64 step %scan3A_65 iter_args(%scan3A_221 = %scan3A_61) -> (i32)  : i32 {
      %mul3A_222 = arith.constant 3 : i32
      %mul3A_223 = arith.muli %scan3A_220, %mul3A_222 : i32
      %add3A_224 = arith.constant 0 : i32
      %add3A_225 = arith.addi %mul3A_223, %add3A_224 : i32
      %dma_wait3A_226 = arith.constant 0 : i32
      %dma_wait3A_227 = tpu.memref_slice %arg8[%add3A_225, %dma_wait3A_226] : memref<125x80xi32, #tpu.memory_space<vmem>> -> memref<1x80xi32, #tpu.memory_space<vmem>>
      %dma_wait3A_228 = tpu.memref_squeeze %dma_wait3A_227 : memref<1x80xi32, #tpu.memory_space<vmem>> -> memref<80xi32, #tpu.memory_space<vmem>>
      %dma_wait3A_229 = arith.constant 0 : i32
      %dma_wait3A_230 = arith.constant 0 : i32
      %dma_wait3A_231 = tpu.memref_slice %arg4[%dma_wait3A_229, %dma_wait3A_230] : memref<10000x112xf32, #tpu.memory_space<hbm>> -> memref<10000x112xf32, #tpu.memory_space<hbm>>
      tpu.wait_indirect_dma semaphore(%arg20 : memref<!tpu.dma_semaphore, #tpu.memory_space<semaphore_mem>>) src(%dma_wait3A_231 : memref<10000x112xf32, #tpu.memory_space<hbm>>) dst(%arg11 : memref<80x112xf32, #tpu.memory_space<vmem>>)
      %get3A_232 = arith.index_cast %add3A_225 : i32 to index
      %get3A_233 = arith.constant 0 : index
      %get3A_234 = tpu.vector_load %arg9[%get3A_232, %get3A_233] {strides = array<i32>} : memref<125x80xi32, #tpu.memory_space<vmem>>, vector<16xi32>,
      %gather3A_235 = tpu.vector_load_idx %arg10[%get3A_234] : memref<10000xf32, #tpu.memory_space<vmem>>[vector<16xi32>], vector<16xf32>,
      %swap3A_236 = arith.constant 0 : index
      %swap3A_237 = tpu.vector_load %arg14[%swap3A_236] {strides = array<i32>} : memref<80xf32, #tpu.memory_space<vmem>>, vector<16xf32>,
      tpu.vector_store %arg14[%swap3A_236], %gather3A_235 {strides = array<i32>} : memref<80xf32, #tpu.memory_space<vmem>>, vector<16xf32>,
      %get3A_238 = arith.index_cast %add3A_225 : i32 to index
      %get3A_239 = arith.constant 16 : index
      %get3A_240 = tpu.vector_load %arg9[%get3A_238, %get3A_239] {strides = array<i32>} : memref<125x80xi32, #tpu.memory_space<vmem>>, vector<16xi32>,
      %gather3A_241 = tpu.vector_load_idx %arg10[%get3A_240] : memref<10000xf32, #tpu.memory_space<vmem>>[vector<16xi32>], vector<16xf32>,
      %swap3A_242 = arith.constant 16 : index
      %swap3A_243 = tpu.vector_load %arg14[%swap3A_242] {strides = array<i32>} : memref<80xf32, #tpu.memory_space<vmem>>, vector<16xf32>,
      tpu.vector_store %arg14[%swap3A_242], %gather3A_241 {strides = array<i32>} : memref<80xf32, #tpu.memory_space<vmem>>, vector<16xf32>,
      %get3A_244 = arith.index_cast %add3A_225 : i32 to index
      %get3A_245 = arith.constant 32 : index
      %get3A_246 = tpu.vector_load %arg9[%get3A_244, %get3A_245] {strides = array<i32>} : memref<125x80xi32, #tpu.memory_space<vmem>>, vector<16xi32>,
      %gather3A_247 = tpu.vector_load_idx %arg10[%get3A_246] : memref<10000xf32, #tpu.memory_space<vmem>>[vector<16xi32>], vector<16xf32>,
      %swap3A_248 = arith.constant 32 : index
      %swap3A_249 = tpu.vector_load %arg14[%swap3A_248] {strides = array<i32>} : memref<80xf32, #tpu.memory_space<vmem>>, vector<16xf32>,
      tpu.vector_store %arg14[%swap3A_248], %gather3A_247 {strides = array<i32>} : memref<80xf32, #tpu.memory_space<vmem>>, vector<16xf32>,
      %get3A_250 = arith.index_cast %add3A_225 : i32 to index
      %get3A_251 = arith.constant 48 : index
      %get3A_252 = tpu.vector_load %arg9[%get3A_250, %get3A_251] {strides = array<i32>} : memref<125x80xi32, #tpu.memory_space<vmem>>, vector<16xi32>,
      %gather3A_253 = tpu.vector_load_idx %arg10[%get3A_252] : memref<10000xf32, #tpu.memory_space<vmem>>[vector<16xi32>], vector<16xf32>,
      %swap3A_254 = arith.constant 48 : index
      %swap3A_255 = tpu.vector_load %arg14[%swap3A_254] {strides = array<i32>} : memref<80xf32, #tpu.memory_space<vmem>>, vector<16xf32>,
      tpu.vector_store %arg14[%swap3A_254], %gather3A_253 {strides = array<i32>} : memref<80xf32, #tpu.memory_space<vmem>>, vector<16xf32>,
      %get3A_256 = arith.index_cast %add3A_225 : i32 to index
      %get3A_257 = arith.constant 64 : index
      %get3A_258 = tpu.vector_load %arg9[%get3A_256, %get3A_257] {strides = array<i32>} : memref<125x80xi32, #tpu.memory_space<vmem>>, vector<16xi32>,
      %gather3A_259 = tpu.vector_load_idx %arg10[%get3A_258] : memref<10000xf32, #tpu.memory_space<vmem>>[vector<16xi32>], vector<16xf32>,
      %swap3A_260 = arith.constant 64 : index
      %swap3A_261 = tpu.vector_load %arg14[%swap3A_260] {strides = array<i32>} : memref<80xf32, #tpu.memory_space<vmem>>, vector<16xf32>,
      tpu.vector_store %arg14[%swap3A_260], %gather3A_259 {strides = array<i32>} : memref<80xf32, #tpu.memory_space<vmem>>, vector<16xf32>,
      %dma_start3A_262 = arith.constant 0 : i32
      %dma_start3A_263 = tpu.memref_slice %arg9[%add3A_225, %dma_start3A_262] : memref<125x80xi32, #tpu.memory_space<vmem>> -> memref<1x80xi32, #tpu.memory_space<vmem>>
      %dma_start3A_264 = tpu.memref_squeeze %dma_start3A_263 : memref<1x80xi32, #tpu.memory_space<vmem>> -> memref<80xi32, #tpu.memory_space<vmem>>
      %dma_start3A_265 = arith.constant 0 : i32
      %dma_start3A_266 = arith.constant 0 : i32
      %dma_start3A_267 = tpu.memref_slice %arg18[%dma_start3A_265, %dma_start3A_266] : memref<10000x112xf32, #tpu.memory_space<vmem_shared>> -> memref<10000x112xf32, #tpu.memory_space<vmem_shared>>
      tpu.enqueue_indirect_dma source(%arg11 : memref<80x112xf32, #tpu.memory_space<vmem>>) target(%dma_start3A_267 : memref<10000x112xf32, #tpu.memory_space<vmem_shared>>) offsets(%dma_start3A_264 : memref<80xi32, #tpu.memory_space<vmem>>) semaphore(%arg23 : memref<!tpu.dma_semaphore, #tpu.memory_space<semaphore_mem>>) {add = true}
      %dma_start3A_268 = arith.constant 0 : i32
      %dma_start3A_269 = tpu.memref_slice %arg8[%add3A_225, %dma_start3A_268] : memref<125x80xi32, #tpu.memory_space<vmem>> -> memref<1x80xi32, #tpu.memory_space<vmem>>
      %dma_start3A_270 = tpu.memref_squeeze %dma_start3A_269 : memref<1x80xi32, #tpu.memory_space<vmem>> -> memref<80xi32, #tpu.memory_space<vmem>>
      %dma_start3A_271 = arith.constant 0 : i32
      %dma_start3A_272 = tpu.memref_slice %arg19[%dma_start3A_271] : memref<10240xf32, #tpu.memory_space<vmem_shared>> -> memref<10240xf32, #tpu.memory_space<vmem_shared>>
      tpu.enqueue_indirect_dma source(%arg14 : memref<80xf32, #tpu.memory_space<vmem>>) target(%dma_start3A_272 : memref<10240xf32, #tpu.memory_space<vmem_shared>>) offsets(%dma_start3A_270 : memref<80xi32, #tpu.memory_space<vmem>>) semaphore(%arg23 : memref<!tpu.dma_semaphore, #tpu.memory_space<semaphore_mem>>) {add = true}
      %add3A_273 = arith.constant 2 : i32
      %add3A_274 = arith.addi %add3A_225, %add3A_273 : i32
      %lt3A = arith.constant 125 : i32
      %lt3A_275 = arith.cmpi slt, %add3A_274, %lt3A : i32
      %convert_element_type3A = arith.extui %lt3A_275 : i1 to i32
      %cond3A = arith.constant 0 : i32
      %cond3A_276 = arith.cmpi ne, %convert_element_type3A, %cond3A : i32
      scf.if %cond3A_276 {
        %ge3A = arith.constant 3 : i32
        %ge3A_394 = arith.cmpi sge, %add3A_274, %ge3A : i32
        %convert_element_type3A_395 = arith.extui %ge3A_394 : i1 to i32
        %cond3A_396 = arith.constant 0 : i32
        %cond3A_397 = arith.cmpi ne, %convert_element_type3A_395, %cond3A_396 : i32
        scf.if %cond3A_397 {
          %dma_wait3A_404 = arith.constant 0 : i32
          %dma_wait3A_405 = arith.constant 0 : i32
          %dma_wait3A_406 = tpu.memref_slice %arg9[%dma_wait3A_404, %dma_wait3A_405] : memref<125x80xi32, #tpu.memory_space<vmem>> -> memref<1x80xi32, #tpu.memory_space<vmem>>
          %dma_wait3A_407 = tpu.memref_squeeze %dma_wait3A_406 : memref<1x80xi32, #tpu.memory_space<vmem>> -> memref<80xi32, #tpu.memory_space<vmem>>
          %dma_wait3A_408 = arith.constant 0 : i32
          %dma_wait3A_409 = arith.constant 0 : i32
          %dma_wait3A_410 = tpu.memref_slice %arg18[%dma_wait3A_408, %dma_wait3A_409] : memref<10000x112xf32, #tpu.memory_space<vmem_shared>> -> memref<10000x112xf32, #tpu.memory_space<vmem_shared>>
          tpu.wait_indirect_dma semaphore(%arg25 : memref<!tpu.dma_semaphore, #tpu.memory_space<semaphore_mem>>) src(%arg13 : memref<80x112xf32, #tpu.memory_space<vmem>>) dst(%dma_wait3A_410 : memref<10000x112xf32, #tpu.memory_space<vmem_shared>>)
          %dma_wait3A_411 = arith.constant 0 : i32
          %dma_wait3A_412 = arith.constant 0 : i32
          %dma_wait3A_413 = tpu.memref_slice %arg8[%dma_wait3A_411, %dma_wait3A_412] : memref<125x80xi32, #tpu.memory_space<vmem>> -> memref<1x80xi32, #tpu.memory_space<vmem>>
          %dma_wait3A_414 = tpu.memref_squeeze %dma_wait3A_413 : memref<1x80xi32, #tpu.memory_space<vmem>> -> memref<80xi32, #tpu.memory_space<vmem>>
          %dma_wait3A_415 = arith.constant 0 : i32
          %dma_wait3A_416 = tpu.memref_slice %arg19[%dma_wait3A_415] : memref<10240xf32, #tpu.memory_space<vmem_shared>> -> memref<10240xf32, #tpu.memory_space<vmem_shared>>
          tpu.wait_indirect_dma semaphore(%arg25 : memref<!tpu.dma_semaphore, #tpu.memory_space<semaphore_mem>>) src(%arg16 : memref<80xf32, #tpu.memory_space<vmem>>) dst(%dma_wait3A_416 : memref<10240xf32, #tpu.memory_space<vmem_shared>>)
        } else {
        }
        %dma_start3A_398 = arith.constant 0 : i32
        %dma_start3A_399 = tpu.memref_slice %arg8[%add3A_274, %dma_start3A_398] : memref<125x80xi32, #tpu.memory_space<vmem>> -> memref<1x80xi32, #tpu.memory_space<vmem>>
        %dma_start3A_400 = tpu.memref_squeeze %dma_start3A_399 : memref<1x80xi32, #tpu.memory_space<vmem>> -> memref<80xi32, #tpu.memory_space<vmem>>
        %dma_start3A_401 = arith.constant 0 : i32
        %dma_start3A_402 = arith.constant 0 : i32
        %dma_start3A_403 = tpu.memref_slice %arg4[%dma_start3A_401, %dma_start3A_402] : memref<10000x112xf32, #tpu.memory_space<hbm>> -> memref<10000x112xf32, #tpu.memory_space<hbm>>
        tpu.enqueue_indirect_dma source(%dma_start3A_403 : memref<10000x112xf32, #tpu.memory_space<hbm>>) target(%arg13 : memref<80x112xf32, #tpu.memory_space<vmem>>) offsets(%dma_start3A_400 : memref<80xi32, #tpu.memory_space<vmem>>) semaphore(%arg22 : memref<!tpu.dma_semaphore, #tpu.memory_space<semaphore_mem>>)
      } else {
      }
      %mul3A_277 = arith.constant 3 : i32
      %mul3A_278 = arith.muli %scan3A_220, %mul3A_277 : i32
      %add3A_279 = arith.constant 1 : i32
      %add3A_280 = arith.addi %mul3A_278, %add3A_279 : i32
      %dma_wait3A_281 = arith.constant 0 : i32
      %dma_wait3A_282 = tpu.memref_slice %arg8[%add3A_280, %dma_wait3A_281] : memref<125x80xi32, #tpu.memory_space<vmem>> -> memref<1x80xi32, #tpu.memory_space<vmem>>
      %dma_wait3A_283 = tpu.memref_squeeze %dma_wait3A_282 : memref<1x80xi32, #tpu.memory_space<vmem>> -> memref<80xi32, #tpu.memory_space<vmem>>
      %dma_wait3A_284 = arith.constant 0 : i32
      %dma_wait3A_285 = arith.constant 0 : i32
      %dma_wait3A_286 = tpu.memref_slice %arg4[%dma_wait3A_284, %dma_wait3A_285] : memref<10000x112xf32, #tpu.memory_space<hbm>> -> memref<10000x112xf32, #tpu.memory_space<hbm>>
      tpu.wait_indirect_dma semaphore(%arg21 : memref<!tpu.dma_semaphore, #tpu.memory_space<semaphore_mem>>) src(%dma_wait3A_286 : memref<10000x112xf32, #tpu.memory_space<hbm>>) dst(%arg12 : memref<80x112xf32, #tpu.memory_space<vmem>>)
      %get3A_287 = arith.index_cast %add3A_280 : i32 to index
      %get3A_288 = arith.constant 0 : index
      %get3A_289 = tpu.vector_load %arg9[%get3A_287, %get3A_288] {strides = array<i32>} : memref<125x80xi32, #tpu.memory_space<vmem>>, vector<16xi32>,
      %gather3A_290 = tpu.vector_load_idx %arg10[%get3A_289] : memref<10000xf32, #tpu.memory_space<vmem>>[vector<16xi32>], vector<16xf32>,
      %swap3A_291 = arith.constant 0 : index
      %swap3A_292 = tpu.vector_load %arg15[%swap3A_291] {strides = array<i32>} : memref<80xf32, #tpu.memory_space<vmem>>, vector<16xf32>,
      tpu.vector_store %arg15[%swap3A_291], %gather3A_290 {strides = array<i32>} : memref<80xf32, #tpu.memory_space<vmem>>, vector<16xf32>,
      %get3A_293 = arith.index_cast %add3A_280 : i32 to index
      %get3A_294 = arith.constant 16 : index
      %get3A_295 = tpu.vector_load %arg9[%get3A_293, %get3A_294] {strides = array<i32>} : memref<125x80xi32, #tpu.memory_space<vmem>>, vector<16xi32>,
      %gather3A_296 = tpu.vector_load_idx %arg10[%get3A_295] : memref<10000xf32, #tpu.memory_space<vmem>>[vector<16xi32>], vector<16xf32>,
      %swap3A_297 = arith.constant 16 : index
      %swap3A_298 = tpu.vector_load %arg15[%swap3A_297] {strides = array<i32>} : memref<80xf32, #tpu.memory_space<vmem>>, vector<16xf32>,
      tpu.vector_store %arg15[%swap3A_297], %gather3A_296 {strides = array<i32>} : memref<80xf32, #tpu.memory_space<vmem>>, vector<16xf32>,
      %get3A_299 = arith.index_cast %add3A_280 : i32 to index
      %get3A_300 = arith.constant 32 : index
      %get3A_301 = tpu.vector_load %arg9[%get3A_299, %get3A_300] {strides = array<i32>} : memref<125x80xi32, #tpu.memory_space<vmem>>, vector<16xi32>,
      %gather3A_302 = tpu.vector_load_idx %arg10[%get3A_301] : memref<10000xf32, #tpu.memory_space<vmem>>[vector<16xi32>], vector<16xf32>,
      %swap3A_303 = arith.constant 32 : index
      %swap3A_304 = tpu.vector_load %arg15[%swap3A_303] {strides = array<i32>} : memref<80xf32, #tpu.memory_space<vmem>>, vector<16xf32>,
      tpu.vector_store %arg15[%swap3A_303], %gather3A_302 {strides = array<i32>} : memref<80xf32, #tpu.memory_space<vmem>>, vector<16xf32>,
      %get3A_305 = arith.index_cast %add3A_280 : i32 to index
      %get3A_306 = arith.constant 48 : index
      %get3A_307 = tpu.vector_load %arg9[%get3A_305, %get3A_306] {strides = array<i32>} : memref<125x80xi32, #tpu.memory_space<vmem>>, vector<16xi32>,
      %gather3A_308 = tpu.vector_load_idx %arg10[%get3A_307] : memref<10000xf32, #tpu.memory_space<vmem>>[vector<16xi32>], vector<16xf32>,
      %swap3A_309 = arith.constant 48 : index
      %swap3A_310 = tpu.vector_load %arg15[%swap3A_309] {strides = array<i32>} : memref<80xf32, #tpu.memory_space<vmem>>, vector<16xf32>,
      tpu.vector_store %arg15[%swap3A_309], %gather3A_308 {strides = array<i32>} : memref<80xf32, #tpu.memory_space<vmem>>, vector<16xf32>,
      %get3A_311 = arith.index_cast %add3A_280 : i32 to index
      %get3A_312 = arith.constant 64 : index
      %get3A_313 = tpu.vector_load %arg9[%get3A_311, %get3A_312] {strides = array<i32>} : memref<125x80xi32, #tpu.memory_space<vmem>>, vector<16xi32>,
      %gather3A_314 = tpu.vector_load_idx %arg10[%get3A_313] : memref<10000xf32, #tpu.memory_space<vmem>>[vector<16xi32>], vector<16xf32>,
      %swap3A_315 = arith.constant 64 : index
      %swap3A_316 = tpu.vector_load %arg15[%swap3A_315] {strides = array<i32>} : memref<80xf32, #tpu.memory_space<vmem>>, vector<16xf32>,
      tpu.vector_store %arg15[%swap3A_315], %gather3A_314 {strides = array<i32>} : memref<80xf32, #tpu.memory_space<vmem>>, vector<16xf32>,
      %dma_start3A_317 = arith.constant 0 : i32
      %dma_start3A_318 = tpu.memref_slice %arg9[%add3A_280, %dma_start3A_317] : memref<125x80xi32, #tpu.memory_space<vmem>> -> memref<1x80xi32, #tpu.memory_space<vmem>>
      %dma_start3A_319 = tpu.memref_squeeze %dma_start3A_318 : memref<1x80xi32, #tpu.memory_space<vmem>> -> memref<80xi32, #tpu.memory_space<vmem>>
      %dma_start3A_320 = arith.constant 0 : i32
      %dma_start3A_321 = arith.constant 0 : i32
      %dma_start3A_322 = tpu.memref_slice %arg18[%dma_start3A_320, %dma_start3A_321] : memref<10000x112xf32, #tpu.memory_space<vmem_shared>> -> memref<10000x112xf32, #tpu.memory_space<vmem_shared>>
      tpu.enqueue_indirect_dma source(%arg12 : memref<80x112xf32, #tpu.memory_space<vmem>>) target(%dma_start3A_322 : memref<10000x112xf32, #tpu.memory_space<vmem_shared>>) offsets(%dma_start3A_319 : memref<80xi32, #tpu.memory_space<vmem>>) semaphore(%arg24 : memref<!tpu.dma_semaphore, #tpu.memory_space<semaphore_mem>>) {add = true}
      %dma_start3A_323 = arith.constant 0 : i32
      %dma_start3A_324 = tpu.memref_slice %arg8[%add3A_280, %dma_start3A_323] : memref<125x80xi32, #tpu.memory_space<vmem>> -> memref<1x80xi32, #tpu.memory_space<vmem>>
      %dma_start3A_325 = tpu.memref_squeeze %dma_start3A_324 : memref<1x80xi32, #tpu.memory_space<vmem>> -> memref<80xi32, #tpu.memory_space<vmem>>
      %dma_start3A_326 = arith.constant 0 : i32
      %dma_start3A_327 = tpu.memref_slice %arg19[%dma_start3A_326] : memref<10240xf32, #tpu.memory_space<vmem_shared>> -> memref<10240xf32, #tpu.memory_space<vmem_shared>>
      tpu.enqueue_indirect_dma source(%arg15 : memref<80xf32, #tpu.memory_space<vmem>>) target(%dma_start3A_327 : memref<10240xf32, #tpu.memory_space<vmem_shared>>) offsets(%dma_start3A_325 : memref<80xi32, #tpu.memory_space<vmem>>) semaphore(%arg24 : memref<!tpu.dma_semaphore, #tpu.memory_space<semaphore_mem>>) {add = true}
      %add3A_328 = arith.constant 2 : i32
      %add3A_329 = arith.addi %add3A_280, %add3A_328 : i32
      %lt3A_330 = arith.constant 125 : i32
      %lt3A_331 = arith.cmpi slt, %add3A_329, %lt3A_330 : i32
      %convert_element_type3A_332 = arith.extui %lt3A_331 : i1 to i32
      %cond3A_333 = arith.constant 0 : i32
      %cond3A_334 = arith.cmpi ne, %convert_element_type3A_332, %cond3A_333 : i32
      scf.if %cond3A_334 {
        %ge3A = arith.constant 3 : i32
        %ge3A_394 = arith.cmpi sge, %add3A_329, %ge3A : i32
        %convert_element_type3A_395 = arith.extui %ge3A_394 : i1 to i32
        %cond3A_396 = arith.constant 0 : i32
        %cond3A_397 = arith.cmpi ne, %convert_element_type3A_395, %cond3A_396 : i32
        scf.if %cond3A_397 {
          %dma_wait3A_404 = arith.constant 0 : i32
          %dma_wait3A_405 = arith.constant 0 : i32
          %dma_wait3A_406 = tpu.memref_slice %arg9[%dma_wait3A_404, %dma_wait3A_405] : memref<125x80xi32, #tpu.memory_space<vmem>> -> memref<1x80xi32, #tpu.memory_space<vmem>>
          %dma_wait3A_407 = tpu.memref_squeeze %dma_wait3A_406 : memref<1x80xi32, #tpu.memory_space<vmem>> -> memref<80xi32, #tpu.memory_space<vmem>>
          %dma_wait3A_408 = arith.constant 0 : i32
          %dma_wait3A_409 = arith.constant 0 : i32
          %dma_wait3A_410 = tpu.memref_slice %arg18[%dma_wait3A_408, %dma_wait3A_409] : memref<10000x112xf32, #tpu.memory_space<vmem_shared>> -> memref<10000x112xf32, #tpu.memory_space<vmem_shared>>
          tpu.wait_indirect_dma semaphore(%arg23 : memref<!tpu.dma_semaphore, #tpu.memory_space<semaphore_mem>>) src(%arg11 : memref<80x112xf32, #tpu.memory_space<vmem>>) dst(%dma_wait3A_410 : memref<10000x112xf32, #tpu.memory_space<vmem_shared>>)
          %dma_wait3A_411 = arith.constant 0 : i32
          %dma_wait3A_412 = arith.constant 0 : i32
          %dma_wait3A_413 = tpu.memref_slice %arg8[%dma_wait3A_411, %dma_wait3A_412] : memref<125x80xi32, #tpu.memory_space<vmem>> -> memref<1x80xi32, #tpu.memory_space<vmem>>
          %dma_wait3A_414 = tpu.memref_squeeze %dma_wait3A_413 : memref<1x80xi32, #tpu.memory_space<vmem>> -> memref<80xi32, #tpu.memory_space<vmem>>
          %dma_wait3A_415 = arith.constant 0 : i32
          %dma_wait3A_416 = tpu.memref_slice %arg19[%dma_wait3A_415] : memref<10240xf32, #tpu.memory_space<vmem_shared>> -> memref<10240xf32, #tpu.memory_space<vmem_shared>>
          tpu.wait_indirect_dma semaphore(%arg23 : memref<!tpu.dma_semaphore, #tpu.memory_space<semaphore_mem>>) src(%arg14 : memref<80xf32, #tpu.memory_space<vmem>>) dst(%dma_wait3A_416 : memref<10240xf32, #tpu.memory_space<vmem_shared>>)
        } else {
        }
        %dma_start3A_398 = arith.constant 0 : i32
        %dma_start3A_399 = tpu.memref_slice %arg8[%add3A_329, %dma_start3A_398] : memref<125x80xi32, #tpu.memory_space<vmem>> -> memref<1x80xi32, #tpu.memory_space<vmem>>
        %dma_start3A_400 = tpu.memref_squeeze %dma_start3A_399 : memref<1x80xi32, #tpu.memory_space<vmem>> -> memref<80xi32, #tpu.memory_space<vmem>>
        %dma_start3A_401 = arith.constant 0 : i32
        %dma_start3A_402 = arith.constant 0 : i32
        %dma_start3A_403 = tpu.memref_slice %arg4[%dma_start3A_401, %dma_start3A_402] : memref<10000x112xf32, #tpu.memory_space<hbm>> -> memref<10000x112xf32, #tpu.memory_space<hbm>>
        tpu.enqueue_indirect_dma source(%dma_start3A_403 : memref<10000x112xf32, #tpu.memory_space<hbm>>) target(%arg11 : memref<80x112xf32, #tpu.memory_space<vmem>>) offsets(%dma_start3A_400 : memref<80xi32, #tpu.memory_space<vmem>>) semaphore(%arg20 : memref<!tpu.dma_semaphore, #tpu.memory_space<semaphore_mem>>)
      } else {
      }
      %mul3A_335 = arith.constant 3 : i32
      %mul3A_336 = arith.muli %scan3A_220, %mul3A_335 : i32
      %add3A_337 = arith.constant 2 : i32
      %add3A_338 = arith.addi %mul3A_336, %add3A_337 : i32
      %dma_wait3A_339 = arith.constant 0 : i32
      %dma_wait3A_340 = tpu.memref_slice %arg8[%add3A_338, %dma_wait3A_339] : memref<125x80xi32, #tpu.memory_space<vmem>> -> memref<1x80xi32, #tpu.memory_space<vmem>>
      %dma_wait3A_341 = tpu.memref_squeeze %dma_wait3A_340 : memref<1x80xi32, #tpu.memory_space<vmem>> -> memref<80xi32, #tpu.memory_space<vmem>>
      %dma_wait3A_342 = arith.constant 0 : i32
      %dma_wait3A_343 = arith.constant 0 : i32
      %dma_wait3A_344 = tpu.memref_slice %arg4[%dma_wait3A_342, %dma_wait3A_343] : memref<10000x112xf32, #tpu.memory_space<hbm>> -> memref<10000x112xf32, #tpu.memory_space<hbm>>
      tpu.wait_indirect_dma semaphore(%arg22 : memref<!tpu.dma_semaphore, #tpu.memory_space<semaphore_mem>>) src(%dma_wait3A_344 : memref<10000x112xf32, #tpu.memory_space<hbm>>) dst(%arg13 : memref<80x112xf32, #tpu.memory_space<vmem>>)
      %get3A_345 = arith.index_cast %add3A_338 : i32 to index
      %get3A_346 = arith.constant 0 : index
      %get3A_347 = tpu.vector_load %arg9[%get3A_345, %get3A_346] {strides = array<i32>} : memref<125x80xi32, #tpu.memory_space<vmem>>, vector<16xi32>,
      %gather3A_348 = tpu.vector_load_idx %arg10[%get3A_347] : memref<10000xf32, #tpu.memory_space<vmem>>[vector<16xi32>], vector<16xf32>,
      %swap3A_349 = arith.constant 0 : index
      %swap3A_350 = tpu.vector_load %arg16[%swap3A_349] {strides = array<i32>} : memref<80xf32, #tpu.memory_space<vmem>>, vector<16xf32>,
      tpu.vector_store %arg16[%swap3A_349], %gather3A_348 {strides = array<i32>} : memref<80xf32, #tpu.memory_space<vmem>>, vector<16xf32>,
      %get3A_351 = arith.index_cast %add3A_338 : i32 to index
      %get3A_352 = arith.constant 16 : index
      %get3A_353 = tpu.vector_load %arg9[%get3A_351, %get3A_352] {strides = array<i32>} : memref<125x80xi32, #tpu.memory_space<vmem>>, vector<16xi32>,
      %gather3A_354 = tpu.vector_load_idx %arg10[%get3A_353] : memref<10000xf32, #tpu.memory_space<vmem>>[vector<16xi32>], vector<16xf32>,
      %swap3A_355 = arith.constant 16 : index
      %swap3A_356 = tpu.vector_load %arg16[%swap3A_355] {strides = array<i32>} : memref<80xf32, #tpu.memory_space<vmem>>, vector<16xf32>,
      tpu.vector_store %arg16[%swap3A_355], %gather3A_354 {strides = array<i32>} : memref<80xf32, #tpu.memory_space<vmem>>, vector<16xf32>,
      %get3A_357 = arith.index_cast %add3A_338 : i32 to index
      %get3A_358 = arith.constant 32 : index
      %get3A_359 = tpu.vector_load %arg9[%get3A_357, %get3A_358] {strides = array<i32>} : memref<125x80xi32, #tpu.memory_space<vmem>>, vector<16xi32>,
      %gather3A_360 = tpu.vector_load_idx %arg10[%get3A_359] : memref<10000xf32, #tpu.memory_space<vmem>>[vector<16xi32>], vector<16xf32>,
      %swap3A_361 = arith.constant 32 : index
      %swap3A_362 = tpu.vector_load %arg16[%swap3A_361] {strides = array<i32>} : memref<80xf32, #tpu.memory_space<vmem>>, vector<16xf32>,
      tpu.vector_store %arg16[%swap3A_361], %gather3A_360 {strides = array<i32>} : memref<80xf32, #tpu.memory_space<vmem>>, vector<16xf32>,
      %get3A_363 = arith.index_cast %add3A_338 : i32 to index
      %get3A_364 = arith.constant 48 : index
      %get3A_365 = tpu.vector_load %arg9[%get3A_363, %get3A_364] {strides = array<i32>} : memref<125x80xi32, #tpu.memory_space<vmem>>, vector<16xi32>,
      %gather3A_366 = tpu.vector_load_idx %arg10[%get3A_365] : memref<10000xf32, #tpu.memory_space<vmem>>[vector<16xi32>], vector<16xf32>,
      %swap3A_367 = arith.constant 48 : index
      %swap3A_368 = tpu.vector_load %arg16[%swap3A_367] {strides = array<i32>} : memref<80xf32, #tpu.memory_space<vmem>>, vector<16xf32>,
      tpu.vector_store %arg16[%swap3A_367], %gather3A_366 {strides = array<i32>} : memref<80xf32, #tpu.memory_space<vmem>>, vector<16xf32>,
      %get3A_369 = arith.index_cast %add3A_338 : i32 to index
      %get3A_370 = arith.constant 64 : index
      %get3A_371 = tpu.vector_load %arg9[%get3A_369, %get3A_370] {strides = array<i32>} : memref<125x80xi32, #tpu.memory_space<vmem>>, vector<16xi32>,
      %gather3A_372 = tpu.vector_load_idx %arg10[%get3A_371] : memref<10000xf32, #tpu.memory_space<vmem>>[vector<16xi32>], vector<16xf32>,
      %swap3A_373 = arith.constant 64 : index
      %swap3A_374 = tpu.vector_load %arg16[%swap3A_373] {strides = array<i32>} : memref<80xf32, #tpu.memory_space<vmem>>, vector<16xf32>,
      tpu.vector_store %arg16[%swap3A_373], %gather3A_372 {strides = array<i32>} : memref<80xf32, #tpu.memory_space<vmem>>, vector<16xf32>,
      %dma_start3A_375 = arith.constant 0 : i32
      %dma_start3A_376 = tpu.memref_slice %arg9[%add3A_338, %dma_start3A_375] : memref<125x80xi32, #tpu.memory_space<vmem>> -> memref<1x80xi32, #tpu.memory_space<vmem>>
      %dma_start3A_377 = tpu.memref_squeeze %dma_start3A_376 : memref<1x80xi32, #tpu.memory_space<vmem>> -> memref<80xi32, #tpu.memory_space<vmem>>
      %dma_start3A_378 = arith.constant 0 : i32
      %dma_start3A_379 = arith.constant 0 : i32
      %dma_start3A_380 = tpu.memref_slice %arg18[%dma_start3A_378, %dma_start3A_379] : memref<10000x112xf32, #tpu.memory_space<vmem_shared>> -> memref<10000x112xf32, #tpu.memory_space<vmem_shared>>
      tpu.enqueue_indirect_dma source(%arg13 : memref<80x112xf32, #tpu.memory_space<vmem>>) target(%dma_start3A_380 : memref<10000x112xf32, #tpu.memory_space<vmem_shared>>) offsets(%dma_start3A_377 : memref<80xi32, #tpu.memory_space<vmem>>) semaphore(%arg25 : memref<!tpu.dma_semaphore, #tpu.memory_space<semaphore_mem>>) {add = true}
      %dma_start3A_381 = arith.constant 0 : i32
      %dma_start3A_382 = tpu.memref_slice %arg8[%add3A_338, %dma_start3A_381] : memref<125x80xi32, #tpu.memory_space<vmem>> -> memref<1x80xi32, #tpu.memory_space<vmem>>
      %dma_start3A_383 = tpu.memref_squeeze %dma_start3A_382 : memref<1x80xi32, #tpu.memory_space<vmem>> -> memref<80xi32, #tpu.memory_space<vmem>>
      %dma_start3A_384 = arith.constant 0 : i32
      %dma_start3A_385 = tpu.memref_slice %arg19[%dma_start3A_384] : memref<10240xf32, #tpu.memory_space<vmem_shared>> -> memref<10240xf32, #tpu.memory_space<vmem_shared>>
      tpu.enqueue_indirect_dma source(%arg16 : memref<80xf32, #tpu.memory_space<vmem>>) target(%dma_start3A_385 : memref<10240xf32, #tpu.memory_space<vmem_shared>>) offsets(%dma_start3A_383 : memref<80xi32, #tpu.memory_space<vmem>>) semaphore(%arg25 : memref<!tpu.dma_semaphore, #tpu.memory_space<semaphore_mem>>) {add = true}
      %add3A_386 = arith.constant 2 : i32
      %add3A_387 = arith.addi %add3A_338, %add3A_386 : i32
      %lt3A_388 = arith.constant 125 : i32
      %lt3A_389 = arith.cmpi slt, %add3A_387, %lt3A_388 : i32
      %convert_element_type3A_390 = arith.extui %lt3A_389 : i1 to i32
      %cond3A_391 = arith.constant 0 : i32
      %cond3A_392 = arith.cmpi ne, %convert_element_type3A_390, %cond3A_391 : i32
      scf.if %cond3A_392 {
        %ge3A = arith.constant 3 : i32
        %ge3A_394 = arith.cmpi sge, %add3A_387, %ge3A : i32
        %convert_element_type3A_395 = arith.extui %ge3A_394 : i1 to i32
        %cond3A_396 = arith.constant 0 : i32
        %cond3A_397 = arith.cmpi ne, %convert_element_type3A_395, %cond3A_396 : i32
        scf.if %cond3A_397 {
          %dma_wait3A_404 = arith.constant 0 : i32
          %dma_wait3A_405 = arith.constant 0 : i32
          %dma_wait3A_406 = tpu.memref_slice %arg9[%dma_wait3A_404, %dma_wait3A_405] : memref<125x80xi32, #tpu.memory_space<vmem>> -> memref<1x80xi32, #tpu.memory_space<vmem>>
          %dma_wait3A_407 = tpu.memref_squeeze %dma_wait3A_406 : memref<1x80xi32, #tpu.memory_space<vmem>> -> memref<80xi32, #tpu.memory_space<vmem>>
          %dma_wait3A_408 = arith.constant 0 : i32
          %dma_wait3A_409 = arith.constant 0 : i32
          %dma_wait3A_410 = tpu.memref_slice %arg18[%dma_wait3A_408, %dma_wait3A_409] : memref<10000x112xf32, #tpu.memory_space<vmem_shared>> -> memref<10000x112xf32, #tpu.memory_space<vmem_shared>>
          tpu.wait_indirect_dma semaphore(%arg24 : memref<!tpu.dma_semaphore, #tpu.memory_space<semaphore_mem>>) src(%arg12 : memref<80x112xf32, #tpu.memory_space<vmem>>) dst(%dma_wait3A_410 : memref<10000x112xf32, #tpu.memory_space<vmem_shared>>)
          %dma_wait3A_411 = arith.constant 0 : i32
          %dma_wait3A_412 = arith.constant 0 : i32
          %dma_wait3A_413 = tpu.memref_slice %arg8[%dma_wait3A_411, %dma_wait3A_412] : memref<125x80xi32, #tpu.memory_space<vmem>> -> memref<1x80xi32, #tpu.memory_space<vmem>>
          %dma_wait3A_414 = tpu.memref_squeeze %dma_wait3A_413 : memref<1x80xi32, #tpu.memory_space<vmem>> -> memref<80xi32, #tpu.memory_space<vmem>>
          %dma_wait3A_415 = arith.constant 0 : i32
          %dma_wait3A_416 = tpu.memref_slice %arg19[%dma_wait3A_415] : memref<10240xf32, #tpu.memory_space<vmem_shared>> -> memref<10240xf32, #tpu.memory_space<vmem_shared>>
          tpu.wait_indirect_dma semaphore(%arg24 : memref<!tpu.dma_semaphore, #tpu.memory_space<semaphore_mem>>) src(%arg15 : memref<80xf32, #tpu.memory_space<vmem>>) dst(%dma_wait3A_416 : memref<10240xf32, #tpu.memory_space<vmem_shared>>)
        } else {
        }
        %dma_start3A_398 = arith.constant 0 : i32
        %dma_start3A_399 = tpu.memref_slice %arg8[%add3A_387, %dma_start3A_398] : memref<125x80xi32, #tpu.memory_space<vmem>> -> memref<1x80xi32, #tpu.memory_space<vmem>>
        %dma_start3A_400 = tpu.memref_squeeze %dma_start3A_399 : memref<1x80xi32, #tpu.memory_space<vmem>> -> memref<80xi32, #tpu.memory_space<vmem>>
        %dma_start3A_401 = arith.constant 0 : i32
        %dma_start3A_402 = arith.constant 0 : i32
        %dma_start3A_403 = tpu.memref_slice %arg4[%dma_start3A_401, %dma_start3A_402] : memref<10000x112xf32, #tpu.memory_space<hbm>> -> memref<10000x112xf32, #tpu.memory_space<hbm>>
        tpu.enqueue_indirect_dma source(%dma_start3A_403 : memref<10000x112xf32, #tpu.memory_space<hbm>>) target(%arg12 : memref<80x112xf32, #tpu.memory_space<vmem>>) offsets(%dma_start3A_400 : memref<80xi32, #tpu.memory_space<vmem>>) semaphore(%arg21 : memref<!tpu.dma_semaphore, #tpu.memory_space<semaphore_mem>>)
      } else {
      }
      %scan3A_393 = arith.constant 0 : i32
      scf.yield %scan3A_393 : i32
    }
    %scan3A_67 = arith.constant 41 : i32
    %dma_wait3A = arith.constant 123 : i32
    %dma_wait3A_68 = arith.constant 0 : i32
    %dma_wait3A_69 = tpu.memref_slice %arg8[%dma_wait3A, %dma_wait3A_68] : memref<125x80xi32, #tpu.memory_space<vmem>> -> memref<1x80xi32, #tpu.memory_space<vmem>>
    %dma_wait3A_70 = tpu.memref_squeeze %dma_wait3A_69 : memref<1x80xi32, #tpu.memory_space<vmem>> -> memref<80xi32, #tpu.memory_space<vmem>>
    %dma_wait3A_71 = arith.constant 0 : i32
    %dma_wait3A_72 = arith.constant 0 : i32
    %dma_wait3A_73 = tpu.memref_slice %arg4[%dma_wait3A_71, %dma_wait3A_72] : memref<10000x112xf32, #tpu.memory_space<hbm>> -> memref<10000x112xf32, #tpu.memory_space<hbm>>
    tpu.wait_indirect_dma semaphore(%arg20 : memref<!tpu.dma_semaphore, #tpu.memory_space<semaphore_mem>>) src(%dma_wait3A_73 : memref<10000x112xf32, #tpu.memory_space<hbm>>) dst(%arg11 : memref<80x112xf32, #tpu.memory_space<vmem>>)
    %get3A = arith.constant 123 : i32
    %get3A_74 = arith.index_cast %get3A : i32 to index
    %get3A_75 = arith.constant 0 : index
    %get3A_76 = tpu.vector_load %arg9[%get3A_74, %get3A_75] {strides = array<i32>} : memref<125x80xi32, #tpu.memory_space<vmem>>, vector<16xi32>,
    %gather3A = tpu.vector_load_idx %arg10[%get3A_76] : memref<10000xf32, #tpu.memory_space<vmem>>[vector<16xi32>], vector<16xf32>,
    %swap3A = arith.constant 0 : index
    %swap3A_77 = tpu.vector_load %arg14[%swap3A] {strides = array<i32>} : memref<80xf32, #tpu.memory_space<vmem>>, vector<16xf32>,
    tpu.vector_store %arg14[%swap3A], %gather3A {strides = array<i32>} : memref<80xf32, #tpu.memory_space<vmem>>, vector<16xf32>,
    %get3A_78 = arith.constant 123 : i32
    %get3A_79 = arith.index_cast %get3A_78 : i32 to index
    %get3A_80 = arith.constant 16 : index
    %get3A_81 = tpu.vector_load %arg9[%get3A_79, %get3A_80] {strides = array<i32>} : memref<125x80xi32, #tpu.memory_space<vmem>>, vector<16xi32>,
    %gather3A_82 = tpu.vector_load_idx %arg10[%get3A_81] : memref<10000xf32, #tpu.memory_space<vmem>>[vector<16xi32>], vector<16xf32>,
    %swap3A_83 = arith.constant 16 : index
    %swap3A_84 = tpu.vector_load %arg14[%swap3A_83] {strides = array<i32>} : memref<80xf32, #tpu.memory_space<vmem>>, vector<16xf32>,
    tpu.vector_store %arg14[%swap3A_83], %gather3A_82 {strides = array<i32>} : memref<80xf32, #tpu.memory_space<vmem>>, vector<16xf32>,
    %get3A_85 = arith.constant 123 : i32
    %get3A_86 = arith.index_cast %get3A_85 : i32 to index
    %get3A_87 = arith.constant 32 : index
    %get3A_88 = tpu.vector_load %arg9[%get3A_86, %get3A_87] {strides = array<i32>} : memref<125x80xi32, #tpu.memory_space<vmem>>, vector<16xi32>,
    %gather3A_89 = tpu.vector_load_idx %arg10[%get3A_88] : memref<10000xf32, #tpu.memory_space<vmem>>[vector<16xi32>], vector<16xf32>,
    %swap3A_90 = arith.constant 32 : index
    %swap3A_91 = tpu.vector_load %arg14[%swap3A_90] {strides = array<i32>} : memref<80xf32, #tpu.memory_space<vmem>>, vector<16xf32>,
    tpu.vector_store %arg14[%swap3A_90], %gather3A_89 {strides = array<i32>} : memref<80xf32, #tpu.memory_space<vmem>>, vector<16xf32>,
    %get3A_92 = arith.constant 123 : i32
    %get3A_93 = arith.index_cast %get3A_92 : i32 to index
    %get3A_94 = arith.constant 48 : index
    %get3A_95 = tpu.vector_load %arg9[%get3A_93, %get3A_94] {strides = array<i32>} : memref<125x80xi32, #tpu.memory_space<vmem>>, vector<16xi32>,
    %gather3A_96 = tpu.vector_load_idx %arg10[%get3A_95] : memref<10000xf32, #tpu.memory_space<vmem>>[vector<16xi32>], vector<16xf32>,
    %swap3A_97 = arith.constant 48 : index
    %swap3A_98 = tpu.vector_load %arg14[%swap3A_97] {strides = array<i32>} : memref<80xf32, #tpu.memory_space<vmem>>, vector<16xf32>,
    tpu.vector_store %arg14[%swap3A_97], %gather3A_96 {strides = array<i32>} : memref<80xf32, #tpu.memory_space<vmem>>, vector<16xf32>,
    %get3A_99 = arith.constant 123 : i32
    %get3A_100 = arith.index_cast %get3A_99 : i32 to index
    %get3A_101 = arith.constant 64 : index
    %get3A_102 = tpu.vector_load %arg9[%get3A_100, %get3A_101] {strides = array<i32>} : memref<125x80xi32, #tpu.memory_space<vmem>>, vector<16xi32>,
    %gather3A_103 = tpu.vector_load_idx %arg10[%get3A_102] : memref<10000xf32, #tpu.memory_space<vmem>>[vector<16xi32>], vector<16xf32>,
    %swap3A_104 = arith.constant 64 : index
    %swap3A_105 = tpu.vector_load %arg14[%swap3A_104] {strides = array<i32>} : memref<80xf32, #tpu.memory_space<vmem>>, vector<16xf32>,
    tpu.vector_store %arg14[%swap3A_104], %gather3A_103 {strides = array<i32>} : memref<80xf32, #tpu.memory_space<vmem>>, vector<16xf32>,
    %dma_start3A_106 = arith.constant 123 : i32
    %dma_start3A_107 = arith.constant 0 : i32
    %dma_start3A_108 = tpu.memref_slice %arg9[%dma_start3A_106, %dma_start3A_107] : memref<125x80xi32, #tpu.memory_space<vmem>> -> memref<1x80xi32, #tpu.memory_space<vmem>>
    %dma_start3A_109 = tpu.memref_squeeze %dma_start3A_108 : memref<1x80xi32, #tpu.memory_space<vmem>> -> memref<80xi32, #tpu.memory_space<vmem>>
    %dma_start3A_110 = arith.constant 0 : i32
    %dma_start3A_111 = arith.constant 0 : i32
    %dma_start3A_112 = tpu.memref_slice %arg18[%dma_start3A_110, %dma_start3A_111] : memref<10000x112xf32, #tpu.memory_space<vmem_shared>> -> memref<10000x112xf32, #tpu.memory_space<vmem_shared>>
    tpu.enqueue_indirect_dma source(%arg11 : memref<80x112xf32, #tpu.memory_space<vmem>>) target(%dma_start3A_112 : memref<10000x112xf32, #tpu.memory_space<vmem_shared>>) offsets(%dma_start3A_109 : memref<80xi32, #tpu.memory_space<vmem>>) semaphore(%arg23 : memref<!tpu.dma_semaphore, #tpu.memory_space<semaphore_mem>>) {add = true}
    %dma_start3A_113 = arith.constant 123 : i32
    %dma_start3A_114 = arith.constant 0 : i32
    %dma_start3A_115 = tpu.memref_slice %arg8[%dma_start3A_113, %dma_start3A_114] : memref<125x80xi32, #tpu.memory_space<vmem>> -> memref<1x80xi32, #tpu.memory_space<vmem>>
    %dma_start3A_116 = tpu.memref_squeeze %dma_start3A_115 : memref<1x80xi32, #tpu.memory_space<vmem>> -> memref<80xi32, #tpu.memory_space<vmem>>
    %dma_start3A_117 = arith.constant 0 : i32
    %dma_start3A_118 = tpu.memref_slice %arg19[%dma_start3A_117] : memref<10240xf32, #tpu.memory_space<vmem_shared>> -> memref<10240xf32, #tpu.memory_space<vmem_shared>>
    tpu.enqueue_indirect_dma source(%arg14 : memref<80xf32, #tpu.memory_space<vmem>>) target(%dma_start3A_118 : memref<10240xf32, #tpu.memory_space<vmem_shared>>) offsets(%dma_start3A_116 : memref<80xi32, #tpu.memory_space<vmem>>) semaphore(%arg23 : memref<!tpu.dma_semaphore, #tpu.memory_space<semaphore_mem>>) {add = true}
    %dma_wait3A_119 = arith.constant 124 : i32
    %dma_wait3A_120 = arith.constant 0 : i32
    %dma_wait3A_121 = tpu.memref_slice %arg8[%dma_wait3A_119, %dma_wait3A_120] : memref<125x80xi32, #tpu.memory_space<vmem>> -> memref<1x80xi32, #tpu.memory_space<vmem>>
    %dma_wait3A_122 = tpu.memref_squeeze %dma_wait3A_121 : memref<1x80xi32, #tpu.memory_space<vmem>> -> memref<80xi32, #tpu.memory_space<vmem>>
    %dma_wait3A_123 = arith.constant 0 : i32
    %dma_wait3A_124 = arith.constant 0 : i32
    %dma_wait3A_125 = tpu.memref_slice %arg4[%dma_wait3A_123, %dma_wait3A_124] : memref<10000x112xf32, #tpu.memory_space<hbm>> -> memref<10000x112xf32, #tpu.memory_space<hbm>>
    tpu.wait_indirect_dma semaphore(%arg21 : memref<!tpu.dma_semaphore, #tpu.memory_space<semaphore_mem>>) src(%dma_wait3A_125 : memref<10000x112xf32, #tpu.memory_space<hbm>>) dst(%arg12 : memref<80x112xf32, #tpu.memory_space<vmem>>)
    %get3A_126 = arith.constant 124 : i32
    %get3A_127 = arith.index_cast %get3A_126 : i32 to index
    %get3A_128 = arith.constant 0 : index
    %get3A_129 = tpu.vector_load %arg9[%get3A_127, %get3A_128] {strides = array<i32>} : memref<125x80xi32, #tpu.memory_space<vmem>>, vector<16xi32>,
    %gather3A_130 = tpu.vector_load_idx %arg10[%get3A_129] : memref<10000xf32, #tpu.memory_space<vmem>>[vector<16xi32>], vector<16xf32>,
    %swap3A_131 = arith.constant 0 : index
    %swap3A_132 = tpu.vector_load %arg15[%swap3A_131] {strides = array<i32>} : memref<80xf32, #tpu.memory_space<vmem>>, vector<16xf32>,
    tpu.vector_store %arg15[%swap3A_131], %gather3A_130 {strides = array<i32>} : memref<80xf32, #tpu.memory_space<vmem>>, vector<16xf32>,
    %get3A_133 = arith.constant 124 : i32
    %get3A_134 = arith.index_cast %get3A_133 : i32 to index
    %get3A_135 = arith.constant 16 : index
    %get3A_136 = tpu.vector_load %arg9[%get3A_134, %get3A_135] {strides = array<i32>} : memref<125x80xi32, #tpu.memory_space<vmem>>, vector<16xi32>,
    %gather3A_137 = tpu.vector_load_idx %arg10[%get3A_136] : memref<10000xf32, #tpu.memory_space<vmem>>[vector<16xi32>], vector<16xf32>,
    %swap3A_138 = arith.constant 16 : index
    %swap3A_139 = tpu.vector_load %arg15[%swap3A_138] {strides = array<i32>} : memref<80xf32, #tpu.memory_space<vmem>>, vector<16xf32>,
    tpu.vector_store %arg15[%swap3A_138], %gather3A_137 {strides = array<i32>} : memref<80xf32, #tpu.memory_space<vmem>>, vector<16xf32>,
    %get3A_140 = arith.constant 124 : i32
    %get3A_141 = arith.index_cast %get3A_140 : i32 to index
    %get3A_142 = arith.constant 32 : index
    %get3A_143 = tpu.vector_load %arg9[%get3A_141, %get3A_142] {strides = array<i32>} : memref<125x80xi32, #tpu.memory_space<vmem>>, vector<16xi32>,
    %gather3A_144 = tpu.vector_load_idx %arg10[%get3A_143] : memref<10000xf32, #tpu.memory_space<vmem>>[vector<16xi32>], vector<16xf32>,
    %swap3A_145 = arith.constant 32 : index
    %swap3A_146 = tpu.vector_load %arg15[%swap3A_145] {strides = array<i32>} : memref<80xf32, #tpu.memory_space<vmem>>, vector<16xf32>,
    tpu.vector_store %arg15[%swap3A_145], %gather3A_144 {strides = array<i32>} : memref<80xf32, #tpu.memory_space<vmem>>, vector<16xf32>,
    %get3A_147 = arith.constant 124 : i32
    %get3A_148 = arith.index_cast %get3A_147 : i32 to index
    %get3A_149 = arith.constant 48 : index
    %get3A_150 = tpu.vector_load %arg9[%get3A_148, %get3A_149] {strides = array<i32>} : memref<125x80xi32, #tpu.memory_space<vmem>>, vector<16xi32>,
    %gather3A_151 = tpu.vector_load_idx %arg10[%get3A_150] : memref<10000xf32, #tpu.memory_space<vmem>>[vector<16xi32>], vector<16xf32>,
    %swap3A_152 = arith.constant 48 : index
    %swap3A_153 = tpu.vector_load %arg15[%swap3A_152] {strides = array<i32>} : memref<80xf32, #tpu.memory_space<vmem>>, vector<16xf32>,
    tpu.vector_store %arg15[%swap3A_152], %gather3A_151 {strides = array<i32>} : memref<80xf32, #tpu.memory_space<vmem>>, vector<16xf32>,
    %get3A_154 = arith.constant 124 : i32
    %get3A_155 = arith.index_cast %get3A_154 : i32 to index
    %get3A_156 = arith.constant 64 : index
    %get3A_157 = tpu.vector_load %arg9[%get3A_155, %get3A_156] {strides = array<i32>} : memref<125x80xi32, #tpu.memory_space<vmem>>, vector<16xi32>,
    %gather3A_158 = tpu.vector_load_idx %arg10[%get3A_157] : memref<10000xf32, #tpu.memory_space<vmem>>[vector<16xi32>], vector<16xf32>,
    %swap3A_159 = arith.constant 64 : index
    %swap3A_160 = tpu.vector_load %arg15[%swap3A_159] {strides = array<i32>} : memref<80xf32, #tpu.memory_space<vmem>>, vector<16xf32>,
    tpu.vector_store %arg15[%swap3A_159], %gather3A_158 {strides = array<i32>} : memref<80xf32, #tpu.memory_space<vmem>>, vector<16xf32>,
    %dma_start3A_161 = arith.constant 124 : i32
    %dma_start3A_162 = arith.constant 0 : i32
    %dma_start3A_163 = tpu.memref_slice %arg9[%dma_start3A_161, %dma_start3A_162] : memref<125x80xi32, #tpu.memory_space<vmem>> -> memref<1x80xi32, #tpu.memory_space<vmem>>
    %dma_start3A_164 = tpu.memref_squeeze %dma_start3A_163 : memref<1x80xi32, #tpu.memory_space<vmem>> -> memref<80xi32, #tpu.memory_space<vmem>>
    %dma_start3A_165 = arith.constant 0 : i32
    %dma_start3A_166 = arith.constant 0 : i32
    %dma_start3A_167 = tpu.memref_slice %arg18[%dma_start3A_165, %dma_start3A_166] : memref<10000x112xf32, #tpu.memory_space<vmem_shared>> -> memref<10000x112xf32, #tpu.memory_space<vmem_shared>>
    tpu.enqueue_indirect_dma source(%arg12 : memref<80x112xf32, #tpu.memory_space<vmem>>) target(%dma_start3A_167 : memref<10000x112xf32, #tpu.memory_space<vmem_shared>>) offsets(%dma_start3A_164 : memref<80xi32, #tpu.memory_space<vmem>>) semaphore(%arg24 : memref<!tpu.dma_semaphore, #tpu.memory_space<semaphore_mem>>) {add = true}
    %dma_start3A_168 = arith.constant 124 : i32
    %dma_start3A_169 = arith.constant 0 : i32
    %dma_start3A_170 = tpu.memref_slice %arg8[%dma_start3A_168, %dma_start3A_169] : memref<125x80xi32, #tpu.memory_space<vmem>> -> memref<1x80xi32, #tpu.memory_space<vmem>>
    %dma_start3A_171 = tpu.memref_squeeze %dma_start3A_170 : memref<1x80xi32, #tpu.memory_space<vmem>> -> memref<80xi32, #tpu.memory_space<vmem>>
    %dma_start3A_172 = arith.constant 0 : i32
    %dma_start3A_173 = tpu.memref_slice %arg19[%dma_start3A_172] : memref<10240xf32, #tpu.memory_space<vmem_shared>> -> memref<10240xf32, #tpu.memory_space<vmem_shared>>
    tpu.enqueue_indirect_dma source(%arg15 : memref<80xf32, #tpu.memory_space<vmem>>) target(%dma_start3A_173 : memref<10240xf32, #tpu.memory_space<vmem_shared>>) offsets(%dma_start3A_171 : memref<80xi32, #tpu.memory_space<vmem>>) semaphore(%arg24 : memref<!tpu.dma_semaphore, #tpu.memory_space<semaphore_mem>>) {add = true}
    %dma_wait3A_174 = arith.constant 0 : i32
    %dma_wait3A_175 = arith.constant 0 : i32
    %dma_wait3A_176 = tpu.memref_slice %arg9[%dma_wait3A_174, %dma_wait3A_175] : memref<125x80xi32, #tpu.memory_space<vmem>> -> memref<1x80xi32, #tpu.memory_space<vmem>>
    %dma_wait3A_177 = tpu.memref_squeeze %dma_wait3A_176 : memref<1x80xi32, #tpu.memory_space<vmem>> -> memref<80xi32, #tpu.memory_space<vmem>>
    %dma_wait3A_178 = arith.constant 0 : i32
    %dma_wait3A_179 = arith.constant 0 : i32
    %dma_wait3A_180 = tpu.memref_slice %arg18[%dma_wait3A_178, %dma_wait3A_179] : memref<10000x112xf32, #tpu.memory_space<vmem_shared>> -> memref<10000x112xf32, #tpu.memory_space<vmem_shared>>
    tpu.wait_indirect_dma semaphore(%arg23 : memref<!tpu.dma_semaphore, #tpu.memory_space<semaphore_mem>>) src(%arg11 : memref<80x112xf32, #tpu.memory_space<vmem>>) dst(%dma_wait3A_180 : memref<10000x112xf32, #tpu.memory_space<vmem_shared>>)
    %dma_wait3A_181 = arith.constant 0 : i32
    %dma_wait3A_182 = arith.constant 0 : i32
    %dma_wait3A_183 = tpu.memref_slice %arg8[%dma_wait3A_181, %dma_wait3A_182] : memref<125x80xi32, #tpu.memory_space<vmem>> -> memref<1x80xi32, #tpu.memory_space<vmem>>
    %dma_wait3A_184 = tpu.memref_squeeze %dma_wait3A_183 : memref<1x80xi32, #tpu.memory_space<vmem>> -> memref<80xi32, #tpu.memory_space<vmem>>
    %dma_wait3A_185 = arith.constant 0 : i32
    %dma_wait3A_186 = tpu.memref_slice %arg19[%dma_wait3A_185] : memref<10240xf32, #tpu.memory_space<vmem_shared>> -> memref<10240xf32, #tpu.memory_space<vmem_shared>>
    tpu.wait_indirect_dma semaphore(%arg23 : memref<!tpu.dma_semaphore, #tpu.memory_space<semaphore_mem>>) src(%arg14 : memref<80xf32, #tpu.memory_space<vmem>>) dst(%dma_wait3A_186 : memref<10240xf32, #tpu.memory_space<vmem_shared>>)
    %dma_wait3A_187 = arith.constant 0 : i32
    %dma_wait3A_188 = arith.constant 0 : i32
    %dma_wait3A_189 = tpu.memref_slice %arg9[%dma_wait3A_187, %dma_wait3A_188] : memref<125x80xi32, #tpu.memory_space<vmem>> -> memref<1x80xi32, #tpu.memory_space<vmem>>
    %dma_wait3A_190 = tpu.memref_squeeze %dma_wait3A_189 : memref<1x80xi32, #tpu.memory_space<vmem>> -> memref<80xi32, #tpu.memory_space<vmem>>
    %dma_wait3A_191 = arith.constant 0 : i32
    %dma_wait3A_192 = arith.constant 0 : i32
    %dma_wait3A_193 = tpu.memref_slice %arg18[%dma_wait3A_191, %dma_wait3A_192] : memref<10000x112xf32, #tpu.memory_space<vmem_shared>> -> memref<10000x112xf32, #tpu.memory_space<vmem_shared>>
    tpu.wait_indirect_dma semaphore(%arg24 : memref<!tpu.dma_semaphore, #tpu.memory_space<semaphore_mem>>) src(%arg12 : memref<80x112xf32, #tpu.memory_space<vmem>>) dst(%dma_wait3A_193 : memref<10000x112xf32, #tpu.memory_space<vmem_shared>>)
    %dma_wait3A_194 = arith.constant 0 : i32
    %dma_wait3A_195 = arith.constant 0 : i32
    %dma_wait3A_196 = tpu.memref_slice %arg8[%dma_wait3A_194, %dma_wait3A_195] : memref<125x80xi32, #tpu.memory_space<vmem>> -> memref<1x80xi32, #tpu.memory_space<vmem>>
    %dma_wait3A_197 = tpu.memref_squeeze %dma_wait3A_196 : memref<1x80xi32, #tpu.memory_space<vmem>> -> memref<80xi32, #tpu.memory_space<vmem>>
    %dma_wait3A_198 = arith.constant 0 : i32
    %dma_wait3A_199 = tpu.memref_slice %arg19[%dma_wait3A_198] : memref<10240xf32, #tpu.memory_space<vmem_shared>> -> memref<10240xf32, #tpu.memory_space<vmem_shared>>
    tpu.wait_indirect_dma semaphore(%arg24 : memref<!tpu.dma_semaphore, #tpu.memory_space<semaphore_mem>>) src(%arg15 : memref<80xf32, #tpu.memory_space<vmem>>) dst(%dma_wait3A_199 : memref<10240xf32, #tpu.memory_space<vmem_shared>>)
    %dma_wait3A_200 = arith.constant 0 : i32
    %dma_wait3A_201 = arith.constant 0 : i32
    %dma_wait3A_202 = tpu.memref_slice %arg9[%dma_wait3A_200, %dma_wait3A_201] : memref<125x80xi32, #tpu.memory_space<vmem>> -> memref<1x80xi32, #tpu.memory_space<vmem>>
    %dma_wait3A_203 = tpu.memref_squeeze %dma_wait3A_202 : memref<1x80xi32, #tpu.memory_space<vmem>> -> memref<80xi32, #tpu.memory_space<vmem>>
    %dma_wait3A_204 = arith.constant 0 : i32
    %dma_wait3A_205 = arith.constant 0 : i32
    %dma_wait3A_206 = tpu.memref_slice %arg18[%dma_wait3A_204, %dma_wait3A_205] : memref<10000x112xf32, #tpu.memory_space<vmem_shared>> -> memref<10000x112xf32, #tpu.memory_space<vmem_shared>>
    tpu.wait_indirect_dma semaphore(%arg25 : memref<!tpu.dma_semaphore, #tpu.memory_space<semaphore_mem>>) src(%arg13 : memref<80x112xf32, #tpu.memory_space<vmem>>) dst(%dma_wait3A_206 : memref<10000x112xf32, #tpu.memory_space<vmem_shared>>)
    %dma_wait3A_207 = arith.constant 0 : i32
    %dma_wait3A_208 = arith.constant 0 : i32
    %dma_wait3A_209 = tpu.memref_slice %arg8[%dma_wait3A_207, %dma_wait3A_208] : memref<125x80xi32, #tpu.memory_space<vmem>> -> memref<1x80xi32, #tpu.memory_space<vmem>>
    %dma_wait3A_210 = tpu.memref_squeeze %dma_wait3A_209 : memref<1x80xi32, #tpu.memory_space<vmem>> -> memref<80xi32, #tpu.memory_space<vmem>>
    %dma_wait3A_211 = arith.constant 0 : i32
    %dma_wait3A_212 = tpu.memref_slice %arg19[%dma_wait3A_211] : memref<10240xf32, #tpu.memory_space<vmem_shared>> -> memref<10240xf32, #tpu.memory_space<vmem_shared>>
    tpu.wait_indirect_dma semaphore(%arg25 : memref<!tpu.dma_semaphore, #tpu.memory_space<semaphore_mem>>) src(%arg16 : memref<80xf32, #tpu.memory_space<vmem>>) dst(%dma_wait3A_212 : memref<10240xf32, #tpu.memory_space<vmem_shared>>)
    %barrier3A_213 = arith.constant 0 : index
    tpu.barrier barrier_id(%barrier3A_213)
    %mul3A_214 = arith.constant 625 : i32
    %mul3A_215 = arith.muli %arg1, %mul3A_214 : i32
    "tpu.region"() ({
      %run_scoped3A = tpu.sem_alloc : memref<!tpu.dma_semaphore, #tpu.memory_space<semaphore_mem>>
      %dma_start3A_220 = arith.constant 0 : i32
      %dma_start3A_221 = tpu.memref_slice %arg6[%arg0, %mul3A_215, %dma_start3A_220] : memref<2x10000x112xf32, #tpu.memory_space<hbm>> -> memref<1x625x112xf32, #tpu.memory_space<hbm>>
      %dma_start3A_222 = tpu.memref_squeeze %dma_start3A_221 : memref<1x625x112xf32, #tpu.memory_space<hbm>> -> memref<625x112xf32, #tpu.memory_space<hbm>>
      %dma_start3A_223 = arith.constant 0 : i32
      %dma_start3A_224 = tpu.memref_slice %arg18[%mul3A_215, %dma_start3A_223] : memref<10000x112xf32, #tpu.memory_space<vmem_shared>> -> memref<625x112xf32, #tpu.memory_space<vmem_shared>>
      tpu.enqueue_dma source(%dma_start3A_224 : memref<625x112xf32, #tpu.memory_space<vmem_shared>>) target(%dma_start3A_222 : memref<625x112xf32, #tpu.memory_space<hbm>>) target_semaphore(%run_scoped3A : memref<!tpu.dma_semaphore, #tpu.memory_space<semaphore_mem>>)
      %dma_wait3A_225 = arith.constant 0 : i32
      %dma_wait3A_226 = tpu.memref_slice %arg6[%arg0, %mul3A_215, %dma_wait3A_225] : memref<2x10000x112xf32, #tpu.memory_space<hbm>> -> memref<1x625x112xf32, #tpu.memory_space<hbm>>
      %dma_wait3A_227 = tpu.memref_squeeze %dma_wait3A_226 : memref<1x625x112xf32, #tpu.memory_space<hbm>> -> memref<625x112xf32, #tpu.memory_space<hbm>>
      %dma_wait3A_228 = arith.constant 0 : i32
      %dma_wait3A_229 = tpu.memref_slice %arg18[%mul3A_215, %dma_wait3A_228] : memref<10000x112xf32, #tpu.memory_space<vmem_shared>> -> memref<625x112xf32, #tpu.memory_space<vmem_shared>>
      tpu.wait_dma2 semaphore(%run_scoped3A : memref<!tpu.dma_semaphore, #tpu.memory_space<semaphore_mem>>) src(%dma_wait3A_229 : memref<625x112xf32, #tpu.memory_space<vmem_shared>>) dst(%dma_wait3A_227 : memref<625x112xf32, #tpu.memory_space<hbm>>)
      tpu.yield
    }) : () -> ()
    %mul3A_216 = arith.constant 640 : i32
    %mul3A_217 = arith.muli %arg1, %mul3A_216 : i32
    %mul3A_218 = arith.constant 640 : i32
    %mul3A_219 = arith.muli %arg1, %mul3A_218 : i32
    "tpu.region"() ({
      %run_scoped3A = tpu.sem_alloc : memref<!tpu.dma_semaphore, #tpu.memory_space<semaphore_mem>>
      %dma_start3A_220 = tpu.memref_slice %arg7[%arg0, %mul3A_219] : memref<2x10240xf32, #tpu.memory_space<hbm>> -> memref<1x640xf32, #tpu.memory_space<hbm>>
      %dma_start3A_221 = tpu.memref_squeeze %dma_start3A_220 : memref<1x640xf32, #tpu.memory_space<hbm>> -> memref<640xf32, #tpu.memory_space<hbm>>
      %dma_start3A_222 = tpu.memref_slice %arg19[%mul3A_217] : memref<10240xf32, #tpu.memory_space<vmem_shared>> -> memref<640xf32, #tpu.memory_space<vmem_shared>>
      tpu.enqueue_dma source(%dma_start3A_222 : memref<640xf32, #tpu.memory_space<vmem_shared>>) target(%dma_start3A_221 : memref<640xf32, #tpu.memory_space<hbm>>) target_semaphore(%run_scoped3A : memref<!tpu.dma_semaphore, #tpu.memory_space<semaphore_mem>>)
      %dma_wait3A_223 = tpu.memref_slice %arg7[%arg0, %mul3A_219] : memref<2x10240xf32, #tpu.memory_space<hbm>> -> memref<1x640xf32, #tpu.memory_space<hbm>>
      %dma_wait3A_224 = tpu.memref_squeeze %dma_wait3A_223 : memref<1x640xf32, #tpu.memory_space<hbm>> -> memref<640xf32, #tpu.memory_space<hbm>>
      %dma_wait3A_225 = tpu.memref_slice %arg19[%mul3A_217] : memref<10240xf32, #tpu.memory_space<vmem_shared>> -> memref<640xf32, #tpu.memory_space<vmem_shared>>
      tpu.wait_dma2 semaphore(%run_scoped3A : memref<!tpu.dma_semaphore, #tpu.memory_space<semaphore_mem>>) src(%dma_wait3A_225 : memref<640xf32, #tpu.memory_space<vmem_shared>>) dst(%dma_wait3A_224 : memref<640xf32, #tpu.memory_space<hbm>>)
      tpu.yield
    }) : () -> ()
    return
  }
}

#map = affine_map<(d0, d1) -> (0, 0, 0)>
#map1 = affine_map<(d0, d1) -> (0, 0)>
module attributes {stable_mosaic.version = 14 : i64} {
  func.func @_deg_kernel(%arg0: i32, %arg1: i32, %arg2: memref<32x125x80xi32, #tpu.memory_space<hbm>>, %arg3: memref<2x10240xf32, #tpu.memory_space<hbm>>, %arg4: memref<125x80xi32, #tpu.memory_space<vmem>>, %arg5: memref<640xf32, #tpu.memory_space<vmem>>, %arg6: memref<10240xf32, #tpu.memory_space<vmem_shared>>) attributes {dimension_semantics = [#tpu.dimension_semantics<core_parallel>, #tpu.dimension_semantics<subcore_parallel>], iteration_bounds = array<i64: 2, 16>, scalar_prefetch = 0 : i64, scratch_operands = 3 : i64, tpu.core_type = #tpu.core_type<sc_vector_subcore>, window_params = [{transform_indices = #map}, {transform_indices = #map1}]} {
    %mul3A = arith.constant 16 : i32
    %mul3A_0 = arith.muli %arg0, %mul3A : i32
    %add3A = arith.addi %mul3A_0, %arg1 : i32
    %scan3A = arith.constant 0 : i32
    %scan3A_1 = arith.constant 0 : i32
    %scan3A_2 = arith.constant 40 : i32
    %scan3A_3 = arith.addi %scan3A_1, %scan3A_2 : i32
    %scan3A_4 = arith.constant 1 : i32
    %scan3A_5 = scf.for %scan3A_28 = %scan3A_1 to %scan3A_3 step %scan3A_4 iter_args(%scan3A_29 = %scan3A) -> (i32)  : i32 {
      %broadcast_in_dim3A = arith.constant 0.000000e+00 : f32
      %broadcast_in_dim3A_30 = vector.broadcast %broadcast_in_dim3A : f32 to vector<16xf32>
      %mul3A_31 = arith.constant 16 : i32
      %mul3A_32 = arith.muli %scan3A_28, %mul3A_31 : i32
      %swap3A = arith.index_cast %mul3A_32 : i32 to index
      %swap3A_33 = tpu.vector_load %arg5[%swap3A] {strides = array<i32>} : memref<640xf32, #tpu.memory_space<vmem>>, vector<16xf32>,
      tpu.vector_store %arg5[%swap3A], %broadcast_in_dim3A_30 {strides = array<i32>} : memref<640xf32, #tpu.memory_space<vmem>>, vector<16xf32>,
      %scan3A_34 = arith.constant 0 : i32
      scf.yield %scan3A_34 : i32
    }
    %scan3A_6 = arith.constant 40 : i32
    %mul3A_7 = arith.constant 640 : i32
    %mul3A_8 = arith.muli %arg1, %mul3A_7 : i32
    "tpu.region"() ({
      %run_scoped3A = tpu.sem_alloc : memref<!tpu.dma_semaphore, #tpu.memory_space<semaphore_mem>>
      %dma_start3A = tpu.memref_slice %arg6[%mul3A_8] : memref<10240xf32, #tpu.memory_space<vmem_shared>> -> memref<640xf32, #tpu.memory_space<vmem_shared>>
      %dma_start3A_28 = tpu.memref_slice %arg6[%mul3A_8] : memref<10240xf32, #tpu.memory_space<vmem_shared>> -> memref<640xf32, #tpu.memory_space<vmem_shared>>
      tpu.enqueue_dma source(%arg5 : memref<640xf32, #tpu.memory_space<vmem>>) target(%dma_start3A_28 : memref<640xf32, #tpu.memory_space<vmem_shared>>) target_semaphore(%run_scoped3A : memref<!tpu.dma_semaphore, #tpu.memory_space<semaphore_mem>>)
      %dma_wait3A = tpu.memref_slice %arg6[%mul3A_8] : memref<10240xf32, #tpu.memory_space<vmem_shared>> -> memref<640xf32, #tpu.memory_space<vmem_shared>>
      %dma_wait3A_29 = tpu.memref_slice %arg6[%mul3A_8] : memref<10240xf32, #tpu.memory_space<vmem_shared>> -> memref<640xf32, #tpu.memory_space<vmem_shared>>
      tpu.wait_dma2 semaphore(%run_scoped3A : memref<!tpu.dma_semaphore, #tpu.memory_space<semaphore_mem>>) src(%arg5 : memref<640xf32, #tpu.memory_space<vmem>>) dst(%dma_wait3A_29 : memref<640xf32, #tpu.memory_space<vmem_shared>>)
      tpu.yield
    }) : () -> ()
    "tpu.region"() ({
      %run_scoped3A = tpu.sem_alloc : memref<!tpu.dma_semaphore, #tpu.memory_space<semaphore_mem>>
      %dma_start3A = arith.constant 0 : i32
      %dma_start3A_28 = arith.constant 0 : i32
      %dma_start3A_29 = tpu.memref_slice %arg2[%add3A, %dma_start3A, %dma_start3A_28] : memref<32x125x80xi32, #tpu.memory_space<hbm>> -> memref<1x125x80xi32, #tpu.memory_space<hbm>>
      %dma_start3A_30 = tpu.memref_squeeze %dma_start3A_29 : memref<1x125x80xi32, #tpu.memory_space<hbm>> -> memref<125x80xi32, #tpu.memory_space<hbm>>
      %dma_start3A_31 = arith.constant 0 : i32
      %dma_start3A_32 = arith.constant 0 : i32
      %dma_start3A_33 = tpu.memref_slice %arg2[%add3A, %dma_start3A_31, %dma_start3A_32] : memref<32x125x80xi32, #tpu.memory_space<hbm>> -> memref<1x125x80xi32, #tpu.memory_space<hbm>>
      %dma_start3A_34 = tpu.memref_squeeze %dma_start3A_33 : memref<1x125x80xi32, #tpu.memory_space<hbm>> -> memref<125x80xi32, #tpu.memory_space<hbm>>
      tpu.enqueue_dma source(%dma_start3A_34 : memref<125x80xi32, #tpu.memory_space<hbm>>) target(%arg4 : memref<125x80xi32, #tpu.memory_space<vmem>>) target_semaphore(%run_scoped3A : memref<!tpu.dma_semaphore, #tpu.memory_space<semaphore_mem>>)
      %dma_wait3A = arith.constant 0 : i32
      %dma_wait3A_35 = arith.constant 0 : i32
      %dma_wait3A_36 = tpu.memref_slice %arg2[%add3A, %dma_wait3A, %dma_wait3A_35] : memref<32x125x80xi32, #tpu.memory_space<hbm>> -> memref<1x125x80xi32, #tpu.memory_space<hbm>>
      %dma_wait3A_37 = tpu.memref_squeeze %dma_wait3A_36 : memref<1x125x80xi32, #tpu.memory_space<hbm>> -> memref<125x80xi32, #tpu.memory_space<hbm>>
      %dma_wait3A_38 = arith.constant 0 : i32
      %dma_wait3A_39 = arith.constant 0 : i32
      %dma_wait3A_40 = tpu.memref_slice %arg2[%add3A, %dma_wait3A_38, %dma_wait3A_39] : memref<32x125x80xi32, #tpu.memory_space<hbm>> -> memref<1x125x80xi32, #tpu.memory_space<hbm>>
      %dma_wait3A_41 = tpu.memref_squeeze %dma_wait3A_40 : memref<1x125x80xi32, #tpu.memory_space<hbm>> -> memref<125x80xi32, #tpu.memory_space<hbm>>
      tpu.wait_dma2 semaphore(%run_scoped3A : memref<!tpu.dma_semaphore, #tpu.memory_space<semaphore_mem>>) src(%dma_wait3A_41 : memref<125x80xi32, #tpu.memory_space<hbm>>) dst(%arg4 : memref<125x80xi32, #tpu.memory_space<vmem>>)
      tpu.yield
    }) : () -> ()
    %scan3A_9 = arith.constant 0 : i32
    %scan3A_10 = arith.constant 0 : i32
    %scan3A_11 = arith.constant 5 : i32
    %scan3A_12 = arith.addi %scan3A_10, %scan3A_11 : i32
    %scan3A_13 = arith.constant 1 : i32
    %scan3A_14 = scf.for %scan3A_28 = %scan3A_10 to %scan3A_12 step %scan3A_13 iter_args(%scan3A_29 = %scan3A_9) -> (i32)  : i32 {
      %broadcast_in_dim3A = arith.constant 1.000000e+00 : f32
      %broadcast_in_dim3A_30 = vector.broadcast %broadcast_in_dim3A : f32 to vector<16xf32>
      %mul3A_31 = arith.constant 16 : i32
      %mul3A_32 = arith.muli %scan3A_28, %mul3A_31 : i32
      %swap3A = arith.index_cast %mul3A_32 : i32 to index
      %swap3A_33 = tpu.vector_load %arg5[%swap3A] {strides = array<i32>} : memref<640xf32, #tpu.memory_space<vmem>>, vector<16xf32>,
      tpu.vector_store %arg5[%swap3A], %broadcast_in_dim3A_30 {strides = array<i32>} : memref<640xf32, #tpu.memory_space<vmem>>, vector<16xf32>,
      %scan3A_34 = arith.constant 0 : i32
      scf.yield %scan3A_34 : i32
    }
    %scan3A_15 = arith.constant 5 : i32
    %barrier3A = arith.constant 0 : index
    tpu.barrier barrier_id(%barrier3A)
    %scan3A_16 = arith.constant 0 : i32
    %scan3A_17 = arith.constant 0 : i32
    %scan3A_18 = arith.constant 125 : i32
    %scan3A_19 = arith.addi %scan3A_17, %scan3A_18 : i32
    %scan3A_20 = arith.constant 1 : i32
    %scan3A_21 = scf.for %scan3A_28 = %scan3A_17 to %scan3A_19 step %scan3A_20 iter_args(%scan3A_29 = %scan3A_16) -> (i32)  : i32 {
      "tpu.region"() ({
        %run_scoped3A = tpu.sem_alloc : memref<!tpu.dma_semaphore, #tpu.memory_space<semaphore_mem>>
        %dma_start3A = arith.constant 0 : i32
        %dma_start3A_31 = tpu.memref_slice %arg5[%dma_start3A] : memref<640xf32, #tpu.memory_space<vmem>> -> memref<80xf32, #tpu.memory_space<vmem>>
        %dma_start3A_32 = arith.constant 0 : i32
        %dma_start3A_33 = tpu.memref_slice %arg4[%scan3A_28, %dma_start3A_32] : memref<125x80xi32, #tpu.memory_space<vmem>> -> memref<1x80xi32, #tpu.memory_space<vmem>>
        %dma_start3A_34 = tpu.memref_squeeze %dma_start3A_33 : memref<1x80xi32, #tpu.memory_space<vmem>> -> memref<80xi32, #tpu.memory_space<vmem>>
        %dma_start3A_35 = arith.constant 0 : i32
        %dma_start3A_36 = tpu.memref_slice %arg6[%dma_start3A_35] : memref<10240xf32, #tpu.memory_space<vmem_shared>> -> memref<10240xf32, #tpu.memory_space<vmem_shared>>
        tpu.enqueue_indirect_dma source(%dma_start3A_31 : memref<80xf32, #tpu.memory_space<vmem>>) target(%dma_start3A_36 : memref<10240xf32, #tpu.memory_space<vmem_shared>>) offsets(%dma_start3A_34 : memref<80xi32, #tpu.memory_space<vmem>>) semaphore(%run_scoped3A : memref<!tpu.dma_semaphore, #tpu.memory_space<semaphore_mem>>) {add = true}
        %dma_wait3A = arith.constant 0 : i32
        %dma_wait3A_37 = tpu.memref_slice %arg5[%dma_wait3A] : memref<640xf32, #tpu.memory_space<vmem>> -> memref<80xf32, #tpu.memory_space<vmem>>
        %dma_wait3A_38 = arith.constant 0 : i32
        %dma_wait3A_39 = tpu.memref_slice %arg4[%scan3A_28, %dma_wait3A_38] : memref<125x80xi32, #tpu.memory_space<vmem>> -> memref<1x80xi32, #tpu.memory_space<vmem>>
        %dma_wait3A_40 = tpu.memref_squeeze %dma_wait3A_39 : memref<1x80xi32, #tpu.memory_space<vmem>> -> memref<80xi32, #tpu.memory_space<vmem>>
        %dma_wait3A_41 = arith.constant 0 : i32
        %dma_wait3A_42 = tpu.memref_slice %arg6[%dma_wait3A_41] : memref<10240xf32, #tpu.memory_space<vmem_shared>> -> memref<10240xf32, #tpu.memory_space<vmem_shared>>
        tpu.wait_indirect_dma semaphore(%run_scoped3A : memref<!tpu.dma_semaphore, #tpu.memory_space<semaphore_mem>>) src(%dma_wait3A_37 : memref<80xf32, #tpu.memory_space<vmem>>) dst(%dma_wait3A_42 : memref<10240xf32, #tpu.memory_space<vmem_shared>>)
        tpu.yield
      }) : () -> ()
      %scan3A_30 = arith.constant 0 : i32
      scf.yield %scan3A_30 : i32
    }
    %scan3A_22 = arith.constant 125 : i32
    %barrier3A_23 = arith.constant 0 : index
    tpu.barrier barrier_id(%barrier3A_23)
    %mul3A_24 = arith.constant 640 : i32
    %mul3A_25 = arith.muli %arg1, %mul3A_24 : i32
    %mul3A_26 = arith.constant 640 : i32
    %mul3A_27 = arith.muli %arg1, %mul3A_26 : i32
    "tpu.region"() ({
      %run_scoped3A = tpu.sem_alloc : memref<!tpu.dma_semaphore, #tpu.memory_space<semaphore_mem>>
      %dma_start3A = tpu.memref_slice %arg3[%arg0, %mul3A_27] : memref<2x10240xf32, #tpu.memory_space<hbm>> -> memref<1x640xf32, #tpu.memory_space<hbm>>
      %dma_start3A_28 = tpu.memref_squeeze %dma_start3A : memref<1x640xf32, #tpu.memory_space<hbm>> -> memref<640xf32, #tpu.memory_space<hbm>>
      %dma_start3A_29 = tpu.memref_slice %arg6[%mul3A_25] : memref<10240xf32, #tpu.memory_space<vmem_shared>> -> memref<640xf32, #tpu.memory_space<vmem_shared>>
      tpu.enqueue_dma source(%dma_start3A_29 : memref<640xf32, #tpu.memory_space<vmem_shared>>) target(%dma_start3A_28 : memref<640xf32, #tpu.memory_space<hbm>>) target_semaphore(%run_scoped3A : memref<!tpu.dma_semaphore, #tpu.memory_space<semaphore_mem>>)
      %dma_wait3A = tpu.memref_slice %arg3[%arg0, %mul3A_27] : memref<2x10240xf32, #tpu.memory_space<hbm>> -> memref<1x640xf32, #tpu.memory_space<hbm>>
      %dma_wait3A_30 = tpu.memref_squeeze %dma_wait3A : memref<1x640xf32, #tpu.memory_space<hbm>> -> memref<640xf32, #tpu.memory_space<hbm>>
      %dma_wait3A_31 = tpu.memref_slice %arg6[%mul3A_25] : memref<10240xf32, #tpu.memory_space<vmem_shared>> -> memref<640xf32, #tpu.memory_space<vmem_shared>>
      tpu.wait_dma2 semaphore(%run_scoped3A : memref<!tpu.dma_semaphore, #tpu.memory_space<semaphore_mem>>) src(%dma_wait3A_31 : memref<640xf32, #tpu.memory_space<vmem_shared>>) dst(%dma_wait3A_30 : memref<640xf32, #tpu.memory_space<hbm>>)
      tpu.yield
    }) : () -> ()
    return
  }
}

module attributes {stable_mosaic.version = 14 : i64} {
  func.func @_mm_body(%arg0: i32, %arg1: memref<2000x128xf32, #tpu.memory_space<vmem>>, %arg2: memref<128x112xf32, #tpu.memory_space<vmem>>, %arg3: memref<2000x112xf32, #tpu.memory_space<vmem>>) attributes {dimension_semantics = [#tpu.dimension_semantics<arbitrary>], iteration_bounds = array<i64: 5>, scalar_prefetch = 0 : i64, scratch_operands = 0 : i64, tpu.core_type = #tpu.core_type<tc>, window_params = [{transform_indices = @transform_0, window_bounds = array<i64: 2000, 128>}, {pipeline_mode = #tpu.pipeline_mode<synchronous>, transform_indices = @transform_1, window_bounds = array<i64: 128, 112>}, {transform_indices = @transform_2, window_bounds = array<i64: 2000, 112>}]} {
    %get3A = arith.constant 0 : index
    %get3A_0 = arith.constant 0 : index
    %get3A_1 = vector.load %arg1[%get3A, %get3A_0] : memref<2000x128xf32, #tpu.memory_space<vmem>>, vector<2000x128xf32>
    %get3A_2 = arith.constant 0 : index
    %get3A_3 = arith.constant 0 : index
    %get3A_4 = vector.load %arg2[%get3A_2, %get3A_3] : memref<128x112xf32, #tpu.memory_space<vmem>>, vector<128x112xf32>
    %dot_general3A = arith.constant dense<0.000000e+00> : vector<2000x112xf32>
    %dot_general3A_5 = tpu.matmul %get3A_1, %get3A_4, %dot_general3A {dimension_numbers = #tpu.dot_dimension_numbers<[1], [0], [0], [1], [0, 0, 1, 1], [], []>, transpose_lhs_hint = false} : vector<2000x128xf32>, vector<128x112xf32>, vector<2000x112xf32> -> vector<2000x112xf32>
    %swap3A = arith.constant 0 : index
    %swap3A_6 = arith.constant 0 : index
    %swap3A_7 = vector.load %arg3[%swap3A, %swap3A_6] : memref<2000x112xf32, #tpu.memory_space<vmem>>, vector<2000x112xf32>
    tpu.vector_store %arg3[%swap3A, %swap3A_6], %dot_general3A_5 {strides = array<i32>} : memref<2000x112xf32, #tpu.memory_space<vmem>>, vector<2000x112xf32>,
    return
  }
  func.func @transform_0(%arg0: i32) -> (i32, i32) {
    %c0_i32 = arith.constant 0 : i32
    %c0_i32_0 = arith.constant 0 : i32
    return %arg0, %c0_i32 : i32, i32
  }
  func.func @transform_1(%arg0: i32) -> (i32, i32) {
    %c0_i32 = arith.constant 0 : i32
    %c0_i32_0 = arith.constant 0 : i32
    %c0_i32_1 = arith.constant 0 : i32
    return %c0_i32, %c0_i32_0 : i32, i32
  }
  func.func @transform_2(%arg0: i32) -> (i32, i32) {
    %c0_i32 = arith.constant 0 : i32
    %c0_i32_0 = arith.constant 0 : i32
    return %arg0, %c0_i32 : i32, i32
  }
}

module attributes {stable_mosaic.version = 14 : i64} {
  func.func @_scale_body(%arg0: i32, %arg1: memref<2000x2xf32, #tpu.memory_space<vmem>>, %arg2: memref<2000x112xf32, #tpu.memory_space<vmem>>, %arg3: memref<2000x112xf32, #tpu.memory_space<vmem>>, %arg4: memref<2000x1xf32, #tpu.memory_space<vmem>>) attributes {dimension_semantics = [#tpu.dimension_semantics<arbitrary>], iteration_bounds = array<i64: 5>, scalar_prefetch = 0 : i64, scratch_operands = 0 : i64, tpu.core_type = #tpu.core_type<tc>, window_params = [{transform_indices = @transform_0, window_bounds = array<i64: 2000, 2>}, {transform_indices = @transform_1, window_bounds = array<i64: 2000, 112>}, {transform_indices = @transform_2, window_bounds = array<i64: 2000, 112>}, {transform_indices = @transform_3, window_bounds = array<i64: 2000, 1>}]} {
    %get3A = arith.constant 0 : index
    %get3A_0 = arith.constant 0 : index
    %get3A_1 = vector.load %arg1[%get3A, %get3A_0] : memref<2000x2xf32, #tpu.memory_space<vmem>>, vector<2000x1xf32>
    %get3A_2 = vector.shape_cast %get3A_1 : vector<2000x1xf32> to vector<2000xf32>
    %get3A_3 = arith.constant 0 : index
    %get3A_4 = arith.constant 1 : index
    %get3A_5 = vector.load %arg1[%get3A_3, %get3A_4] : memref<2000x2xf32, #tpu.memory_space<vmem>>, vector<2000x1xf32>
    %get3A_6 = vector.shape_cast %get3A_5 : vector<2000x1xf32> to vector<2000xf32>
    %add3A = arith.addf %get3A_2, %get3A_6 : vector<2000xf32>
    %add3A_7 = arith.constant 1.000000e+00 : f32
    %add3A_8 = vector.broadcast %add3A_7 : f32 to vector<2000xf32>
    %add3A_9 = arith.addf %add3A, %add3A_8 : vector<2000xf32>
    %rsqrt3A = math.rsqrt %add3A_9 : vector<2000xf32>
    %get3A_10 = arith.constant 0 : index
    %get3A_11 = arith.constant 0 : index
    %get3A_12 = vector.load %arg2[%get3A_10, %get3A_11] : memref<2000x112xf32, #tpu.memory_space<vmem>>, vector<2000x112xf32>
    %broadcast_in_dim3A = vector.shape_cast %rsqrt3A : vector<2000xf32> to vector<2000x1xf32>
    %mul3A = vector.broadcast %broadcast_in_dim3A : vector<2000x1xf32> to vector<2000x112xf32>
    %mul3A_13 = arith.mulf %get3A_12, %mul3A : vector<2000x112xf32>
    %swap3A = arith.constant 0 : index
    %swap3A_14 = arith.constant 0 : index
    %swap3A_15 = vector.load %arg3[%swap3A, %swap3A_14] : memref<2000x112xf32, #tpu.memory_space<vmem>>, vector<2000x112xf32>
    tpu.vector_store %arg3[%swap3A, %swap3A_14], %mul3A_13 {strides = array<i32>} : memref<2000x112xf32, #tpu.memory_space<vmem>>, vector<2000x112xf32>,
    %broadcast_in_dim3A_16 = vector.shape_cast %rsqrt3A : vector<2000xf32> to vector<2000x1xf32>
    %swap3A_17 = arith.constant 0 : index
    %swap3A_18 = arith.constant 0 : index
    %swap3A_19 = vector.load %arg4[%swap3A_17, %swap3A_18] : memref<2000x1xf32, #tpu.memory_space<vmem>>, vector<2000x1xf32>
    tpu.vector_store %arg4[%swap3A_17, %swap3A_18], %broadcast_in_dim3A_16 {strides = array<i32>} : memref<2000x1xf32, #tpu.memory_space<vmem>>, vector<2000x1xf32>,
    return
  }
  func.func @transform_0(%arg0: i32) -> (i32, i32) {
    %c0_i32 = arith.constant 0 : i32
    %c0_i32_0 = arith.constant 0 : i32
    return %arg0, %c0_i32 : i32, i32
  }
  func.func @transform_1(%arg0: i32) -> (i32, i32) {
    %c0_i32 = arith.constant 0 : i32
    %c0_i32_0 = arith.constant 0 : i32
    return %arg0, %c0_i32 : i32, i32
  }
  func.func @transform_2(%arg0: i32) -> (i32, i32) {
    %c0_i32 = arith.constant 0 : i32
    %c0_i32_0 = arith.constant 0 : i32
    return %arg0, %c0_i32 : i32, i32
  }
  func.func @transform_3(%arg0: i32) -> (i32, i32) {
    %c0_i32 = arith.constant 0 : i32
    %c0_i32_0 = arith.constant 0 : i32
    return %arg0, %c0_i32 : i32, i32
  }
}

module attributes {stable_mosaic.version = 14 : i64} {
  func.func @_fin_body(%arg0: i32, %arg1: memref<2x2000x112xf32, #tpu.memory_space<vmem>>, %arg2: memref<2000x112xf32, #tpu.memory_space<vmem>>, %arg3: memref<2000x1xf32, #tpu.memory_space<vmem>>, %arg4: memref<2000x2xf32, #tpu.memory_space<vmem>>, %arg5: memref<1x112xf32, #tpu.memory_space<vmem>>, %arg6: memref<112x10xf32, #tpu.memory_space<vmem>>, %arg7: memref<1x10xf32, #tpu.memory_space<vmem>>, %arg8: memref<1x10xf32, #tpu.memory_space<vmem>>, %arg9: memref<1x112xf32, #tpu.memory_space<vmem>>) attributes {dimension_semantics = [#tpu.dimension_semantics<arbitrary>], iteration_bounds = array<i64: 5>, scalar_prefetch = 0 : i64, scratch_operands = 1 : i64, tpu.core_type = #tpu.core_type<tc>, window_params = [{transform_indices = @transform_0, window_bounds = array<i64: 2, 2000, 112>}, {transform_indices = @transform_1, window_bounds = array<i64: 2000, 112>}, {transform_indices = @transform_2, window_bounds = array<i64: 2000, 1>}, {transform_indices = @transform_3, window_bounds = array<i64: 2000, 2>}, {pipeline_mode = #tpu.pipeline_mode<synchronous>, transform_indices = @transform_4, window_bounds = array<i64: 1, 112>}, {pipeline_mode = #tpu.pipeline_mode<synchronous>, transform_indices = @transform_5, window_bounds = array<i64: 112, 10>}, {pipeline_mode = #tpu.pipeline_mode<synchronous>, transform_indices = @transform_6, window_bounds = array<i64: 1, 10>}, {pipeline_mode = #tpu.pipeline_mode<synchronous>, transform_indices = @transform_7, window_bounds = array<i64: 1, 10>}]} {
    %get3A = arith.constant 0 : index
    %get3A_0 = arith.constant 0 : index
    %get3A_1 = arith.constant 0 : index
    %get3A_2 = vector.load %arg1[%get3A, %get3A_0, %get3A_1] : memref<2x2000x112xf32, #tpu.memory_space<vmem>>, vector<1x2000x112xf32>
    %get3A_3 = vector.shape_cast %get3A_2 : vector<1x2000x112xf32> to vector<2000x112xf32>
    %get3A_4 = arith.constant 1 : index
    %get3A_5 = arith.constant 0 : index
    %get3A_6 = arith.constant 0 : index
    %get3A_7 = vector.load %arg1[%get3A_4, %get3A_5, %get3A_6] : memref<2x2000x112xf32, #tpu.memory_space<vmem>>, vector<1x2000x112xf32>
    %get3A_8 = vector.shape_cast %get3A_7 : vector<1x2000x112xf32> to vector<2000x112xf32>
    %add3A = arith.addf %get3A_3, %get3A_8 : vector<2000x112xf32>
    %get3A_9 = arith.constant 0 : index
    %get3A_10 = arith.constant 0 : index
    %get3A_11 = vector.load %arg2[%get3A_9, %get3A_10] : memref<2000x112xf32, #tpu.memory_space<vmem>>, vector<2000x112xf32>
    %add3A_12 = arith.addf %add3A, %get3A_11 : vector<2000x112xf32>
    %get3A_13 = arith.constant 0 : index
    %get3A_14 = arith.constant 0 : index
    %get3A_15 = vector.load %arg3[%get3A_13, %get3A_14] : memref<2000x1xf32, #tpu.memory_space<vmem>>, vector<2000x1xf32>
    %mul3A = vector.broadcast %get3A_15 : vector<2000x1xf32> to vector<2000x112xf32>
    %mul3A_16 = arith.mulf %add3A_12, %mul3A : vector<2000x112xf32>
    %get3A_17 = arith.constant 0 : index
    %get3A_18 = arith.constant 0 : index
    %get3A_19 = vector.load %arg5[%get3A_17, %get3A_18] : memref<1x112xf32, #tpu.memory_space<vmem>>, vector<1x112xf32>
    %add3A_20 = vector.broadcast %get3A_19 : vector<1x112xf32> to vector<2000x112xf32>
    %add3A_21 = arith.addf %mul3A_16, %add3A_20 : vector<2000x112xf32>
    %max3A = arith.constant 0.000000e+00 : f32
    %max3A_22 = vector.broadcast %max3A : f32 to vector<2000x112xf32>
    %max3A_23 = arith.maximumf %add3A_21, %max3A_22 : vector<2000x112xf32>
    %get3A_24 = arith.constant 0 : index
    %get3A_25 = arith.constant 0 : index
    %get3A_26 = vector.load %arg4[%get3A_24, %get3A_25] : memref<2000x2xf32, #tpu.memory_space<vmem>>, vector<2000x1xf32>
    %get3A_27 = vector.shape_cast %get3A_26 : vector<2000x1xf32> to vector<2000xf32>
    %get3A_28 = arith.constant 0 : index
    %get3A_29 = arith.constant 1 : index
    %get3A_30 = vector.load %arg4[%get3A_28, %get3A_29] : memref<2000x2xf32, #tpu.memory_space<vmem>>, vector<2000x1xf32>
    %get3A_31 = vector.shape_cast %get3A_30 : vector<2000x1xf32> to vector<2000xf32>
    %add3A_32 = arith.addf %get3A_27, %get3A_31 : vector<2000xf32>
    %squeeze3A = vector.shape_cast %get3A_15 : vector<2000x1xf32> to vector<2000xf32>
    %squeeze3A_33 = vector.shape_cast %get3A_15 : vector<2000x1xf32> to vector<2000xf32>
    %add3A_34 = arith.addf %add3A_32, %squeeze3A_33 : vector<2000xf32>
    %mul3A_35 = arith.mulf %squeeze3A, %add3A_34 : vector<2000xf32>
    %broadcast_in_dim3A = vector.shape_cast %mul3A_35 : vector<2000xf32> to vector<1x2000xf32>
    %dot_general3A = arith.constant dense<0.000000e+00> : vector<1x112xf32>
    %dot_general3A_36 = tpu.matmul %broadcast_in_dim3A, %max3A_23, %dot_general3A {dimension_numbers = #tpu.dot_dimension_numbers<[1], [0], [0], [1], [0, 0, 1, 1], [], []>, transpose_lhs_hint = false} : vector<1x2000xf32>, vector<2000x112xf32>, vector<1x112xf32> -> vector<1x112xf32>
    %eq3A = arith.constant 0 : i32
    %eq3A_37 = arith.cmpi eq, %arg0, %eq3A : i32
    %convert_element_type3A = arith.extui %eq3A_37 : i1 to i32
    %cond3A = arith.constant 0 : i32
    %cond3A_38 = arith.cmpi ne, %convert_element_type3A, %cond3A : i32
    scf.if %cond3A_38 {
      %swap3A = arith.constant 0 : index
      %swap3A_48 = arith.constant 0 : index
      %swap3A_49 = vector.load %arg9[%swap3A, %swap3A_48] : memref<1x112xf32, #tpu.memory_space<vmem>>, vector<1x112xf32>
      tpu.vector_store %arg9[%swap3A, %swap3A_48], %dot_general3A_36 {strides = array<i32>} : memref<1x112xf32, #tpu.memory_space<vmem>>, vector<1x112xf32>,
    } else {
    }
    %gt3A = arith.constant 0 : i32
    %gt3A_39 = arith.cmpi sgt, %arg0, %gt3A : i32
    %convert_element_type3A_40 = arith.extui %gt3A_39 : i1 to i32
    %cond3A_41 = arith.constant 0 : i32
    %cond3A_42 = arith.cmpi ne, %convert_element_type3A_40, %cond3A_41 : i32
    scf.if %cond3A_42 {
      %get3A_48 = arith.constant 0 : index
      %get3A_49 = arith.constant 0 : index
      %get3A_50 = vector.load %arg9[%get3A_48, %get3A_49] : memref<1x112xf32, #tpu.memory_space<vmem>>, vector<1x112xf32>
      %add3A_51 = arith.addf %get3A_50, %dot_general3A_36 : vector<1x112xf32>
      %swap3A = arith.constant 0 : index
      %swap3A_52 = arith.constant 0 : index
      %swap3A_53 = vector.load %arg9[%swap3A, %swap3A_52] : memref<1x112xf32, #tpu.memory_space<vmem>>, vector<1x112xf32>
      tpu.vector_store %arg9[%swap3A, %swap3A_52], %add3A_51 {strides = array<i32>} : memref<1x112xf32, #tpu.memory_space<vmem>>, vector<1x112xf32>,
    } else {
    }
    %eq3A_43 = arith.constant 4 : i32
    %eq3A_44 = arith.cmpi eq, %arg0, %eq3A_43 : i32
    %convert_element_type3A_45 = arith.extui %eq3A_44 : i1 to i32
    %cond3A_46 = arith.constant 0 : i32
    %cond3A_47 = arith.cmpi ne, %convert_element_type3A_45, %cond3A_46 : i32
    scf.if %cond3A_47 {
      %get3A_48 = arith.constant 0 : index
      %get3A_49 = arith.constant 0 : index
      %get3A_50 = vector.load %arg9[%get3A_48, %get3A_49] : memref<1x112xf32, #tpu.memory_space<vmem>>, vector<1x112xf32>
      %get3A_51 = arith.constant 0 : index
      %get3A_52 = arith.constant 0 : index
      %get3A_53 = vector.load %arg6[%get3A_51, %get3A_52] : memref<112x10xf32, #tpu.memory_space<vmem>>, vector<112x10xf32>
      %dot_general3A_54 = arith.constant dense<0.000000e+00> : vector<1x10xf32>
      %dot_general3A_55 = tpu.matmul %get3A_50, %get3A_53, %dot_general3A_54 {dimension_numbers = #tpu.dot_dimension_numbers<[1], [0], [0], [1], [0, 0, 1, 1], [], []>, transpose_lhs_hint = false} : vector<1x112xf32>, vector<112x10xf32>, vector<1x10xf32> -> vector<1x10xf32>
      %div3A = arith.constant 1.000000e+04 : f32
      %div3A_56 = vector.broadcast %div3A : f32 to vector<1x10xf32>
      %div3A_57 = arith.divf %dot_general3A_55, %div3A_56 : vector<1x10xf32>
      %get3A_58 = arith.constant 0 : index
      %get3A_59 = arith.constant 0 : index
      %get3A_60 = vector.load %arg7[%get3A_58, %get3A_59] : memref<1x10xf32, #tpu.memory_space<vmem>>, vector<1x10xf32>
      %add3A_61 = arith.addf %div3A_57, %get3A_60 : vector<1x10xf32>
      %reduce_max3A = arith.constant dense<0xFF800000> : vector<1xf32>
      %reduce_max3A_62 = vector.multi_reduction <maximumf>, %add3A_61, %reduce_max3A [1] : vector<1x10xf32> to vector<1xf32>
      %broadcast_in_dim3A_63 = vector.shape_cast %reduce_max3A_62 : vector<1xf32> to vector<1x1xf32>
      %sub3A = vector.broadcast %broadcast_in_dim3A_63 : vector<1x1xf32> to vector<1x10xf32>
      %sub3A_64 = arith.subf %add3A_61, %sub3A : vector<1x10xf32>
      %exp3A = math.exp %sub3A_64 : vector<1x10xf32>
      %reduce_sum3A = arith.constant dense<0.000000e+00> : vector<1xf32>
      %reduce_sum3A_65 = vector.multi_reduction <add>, %exp3A, %reduce_sum3A [1] : vector<1x10xf32> to vector<1xf32>
      %broadcast_in_dim3A_66 = vector.shape_cast %reduce_sum3A_65 : vector<1xf32> to vector<1x1xf32>
      %log3A = math.log %broadcast_in_dim3A_66 : vector<1x1xf32>
      %add3A_67 = arith.addf %log3A, %broadcast_in_dim3A_63 : vector<1x1xf32>
      %sub3A_68 = vector.broadcast %add3A_67 : vector<1x1xf32> to vector<1x10xf32>
      %sub3A_69 = arith.subf %add3A_61, %sub3A_68 : vector<1x10xf32>
      %swap3A = arith.constant 0 : index
      %swap3A_70 = arith.constant 0 : index
      %swap3A_71 = vector.load %arg8[%swap3A, %swap3A_70] : memref<1x10xf32, #tpu.memory_space<vmem>>, vector<1x10xf32>
      tpu.vector_store %arg8[%swap3A, %swap3A_70], %sub3A_69 {strides = array<i32>} : memref<1x10xf32, #tpu.memory_space<vmem>>, vector<1x10xf32>,
    } else {
    }
    return
  }
  func.func @transform_0(%arg0: i32) -> (i32, i32, i32) {
    %c0_i32 = arith.constant 0 : i32
    %c0_i32_0 = arith.constant 0 : i32
    %c0_i32_1 = arith.constant 0 : i32
    return %c0_i32, %arg0, %c0_i32_0 : i32, i32, i32
  }
  func.func @transform_1(%arg0: i32) -> (i32, i32) {
    %c0_i32 = arith.constant 0 : i32
    %c0_i32_0 = arith.constant 0 : i32
    return %arg0, %c0_i32 : i32, i32
  }
  func.func @transform_2(%arg0: i32) -> (i32, i32) {
    %c0_i32 = arith.constant 0 : i32
    %c0_i32_0 = arith.constant 0 : i32
    return %arg0, %c0_i32 : i32, i32
  }
  func.func @transform_3(%arg0: i32) -> (i32, i32) {
    %c0_i32 = arith.constant 0 : i32
    %c0_i32_0 = arith.constant 0 : i32
    return %arg0, %c0_i32 : i32, i32
  }
  func.func @transform_4(%arg0: i32) -> (i32, i32) {
    %c0_i32 = arith.constant 0 : i32
    %c0_i32_0 = arith.constant 0 : i32
    %c0_i32_1 = arith.constant 0 : i32
    return %c0_i32, %c0_i32_0 : i32, i32
  }
  func.func @transform_5(%arg0: i32) -> (i32, i32) {
    %c0_i32 = arith.constant 0 : i32
    %c0_i32_0 = arith.constant 0 : i32
    %c0_i32_1 = arith.constant 0 : i32
    return %c0_i32, %c0_i32_0 : i32, i32
  }
  func.func @transform_6(%arg0: i32) -> (i32, i32) {
    %c0_i32 = arith.constant 0 : i32
    %c0_i32_0 = arith.constant 0 : i32
    %c0_i32_1 = arith.constant 0 : i32
    return %c0_i32, %c0_i32_0 : i32, i32
  }
  func.func @transform_7(%arg0: i32) -> (i32, i32) {
    %c0_i32 = arith.constant 0 : i32
    %c0_i32_0 = arith.constant 0 : i32
    %c0_i32_1 = arith.constant 0 : i32
    return %c0_i32, %c0_i32_0 : i32, i32
  }
}

</mosaic_0001>

<sc_bundles>
// kernel: kernel.10.cloned.1.call-start
scs
__scs_entry_jumppad:
0x0: {  	(pc) =	sbr.rel $0x88, $3  }
0x1: {  	(tag) =	ssettag $0x0;
	lr =	simm.s32 $0x1  }
0x2: {  	[smem:$0x3F9B] =	sst lr;
	_ =	strace $0xD0000000  }
0x3: {  	_ = 	snop  }
0x4: {  	_ = 	snop  }
0x5: {  	_ = 	snop  }
0x6: {  	_ = 	snop  }
0x7: {  	_ = 	snop  }
__scs_overlays_trampoline_lowered:
0x8: {  	[smem:$0x3FAA] =	sst s0  }
0x9: {  	[smem:$0x3FAB] =	sst s1  }
0xa: {  	[smem:$0x3FAC] =	sst s2  }
0xb: {  	[smem:$0x3FAD] =	sst s3  }
0xc: {  	[smem:$0x3FAE] =	sst s4  }
0xd: {  	[smem:$0x3FAF] =	sst s5  }
0xe: {  	[smem:$0x3FB0] =	sst s6  }
0xf: {  	[smem:$0x3FB1] =	sst s7  }
0x10: {  	[smem:$0x3FB2] =	sst s8  }
0x11: {  	[smem:$0x3FB3] =	sst s9;
	s0 =	simm.s32 @!p0 $0x0  }
0x12: {  	s1 =	sld [smem:$0x3F99];
	s0 =	simm.s32 @p0 $0x1  }
0x13: {  	[smem:$0x3FB4] =	sst s0;
	s0 =	simm.s32 @!p1 $0x0  }
0x14: {  	s2 =	sld [smem:$0x3F98];
	s0 =	simm.s32 @p1 $0x1  }
0x15: {  	[smem:$0x3FB5] =	sst s0;
	s0 =	simm.s32 @!p2 $0x0  }
0x16: {  	s3 =	sld [smem:$0x3FDB];
	s0 =	simm.s32 @p2 $0x1  }
0x17: {  	s4 =	simm.s32 $0x1BF5;
	[smem:$0x3FB7] =	sst s0  }
0x18: {  	s0 =	sld [smem:$0x3F9A];
	_ =	swait.ge [sflag:s4], $0x0  }
0x19: {  	s7 =	sld [smem:$0x3F9B]  }
0x1a: {  	s8 =	sadd.s32 $0xFFFFE003, lr  }
0x1b: {  	s9 =	sadd.s32 $0xFFFFFEF7, lr;
	s5 =	simm.s32 $0xFFFFFFFF;
	p2 =	slt.u32 s8, $0xFFFFF086  }
0x1c: {  	p1 =	slt.u32 s9, $0xF7A;
	s5 =	simm.s32 @!p2 $0x0  }
0x1d: {  	s5 =	simm.s32 @p1 $0x1;
	p0 =	seq.s32 s7, s2  }
0x1e: {  	s7 =	smul.u32 @!p0 $0xF7A, s2;
	p2 =	seq.s32 @!p0 s5, $0x0  }
0x1f: {  	s9 =	smul.u32 $0xF7A, s1;
	s8 =	simm.s32 @!p0 $0x1BF5;
	p2 =	por !p2, p0  }
0x20: {  	[sflag:s8] =	ssyncset.s32 @!p0 $0xFFFFF086;
	s6 =	sadd.s32 @!p0 s3, s7;
	s7 =	simm.s32 @!p0 $0x108  }
0x21: {  	s3 =	sadd.s32 s3, s9;
	s6 =	sadd.s32 @!p0 $0x88, s6;
	s7 =	simm.s32 @p2 $0x1082  }
0x22: {  	[simem:s7], [sflag:s8] =	dma.local @!p0 [hbm:s6], $0xF7A  }
0x23: {  	s9 =	sor.u32 $0xD0000000, s2;
	s6 =	simm.s32 $0x108;
	_ =	swait.ge @!p0 [sflag:s8], $0x0  }
0x24: {  	s3 =	sadd.s32 $0x88, s3;
	s6 =	simm.s32 @!p1 $0x1082;
	[sflag:s4] =	ssyncset.s32 $0xFFFFF086  }
0x25: {  	[simem:s6], [sflag:s4] =	dma.local [hbm:s3], $0xF7A  }
0x26: {  	[smem:$0x3F9B] =	sst s1;
	(tag) =	ssettag s2;
	_ =	strace s9  }
0x27: {  	s1 =	sld [smem:$0x3FAB]  }
0x28: {  	s2 =	sld [smem:$0x3FAC]  }
0x29: {  	s4 =	sld [smem:$0x3FAE]  }
0x2a: {  	p0 =	seq.s32 s5, $0x0;
	s5 =	sld [smem:$0x3FAF]  }
0x2b: {  	s6 =	sld [smem:$0x3FB0]  }
0x2c: {  	s7 =	sld [smem:$0x3FB1]  }
0x2d: {  	s3 =	simm.s32 $0x108;
	s8 =	sld [smem:$0x3FB2]  }
0x2e: {  	s3 =	simm.s32 @!p0 $0x1082;
	s9 =	sld [smem:$0x3FB3]  }
0x2f: {  	lr =	sadd.s32 s0, s3;
	s0 =	sld [smem:$0x3FAA]  }
0x30: {  	s3 =	sld [smem:$0x3FAD]  }
0x31: {  	[smem:$0x3FB6] =	sst s10  }
0x32: {  	s10 =	sld [smem:$0x3FB4];
	_ =	sdelay $0x3  }
0x33: {  	p0 =	seq.s32 s10, $0x1;
	s10 =	sld [smem:$0x3FB6];
	_ =	sdelay $0x3  }
0x34: {  	[smem:$0x3FB6] =	sst s10  }
0x35: {  	s10 =	sld [smem:$0x3FB5];
	_ =	sdelay $0x3  }
0x36: {  	p1 =	seq.s32 s10, $0x1;
	s10 =	sld [smem:$0x3FB6];
	_ =	sdelay $0x3  }
0x37: {  	[smem:$0x3FB6] =	sst s10  }
0x38: {  	s10 =	sld [smem:$0x3FB7]  }
0x39: {  	_ = 	snop;
	(pc) =	sbr.ind lr, $3  }
0x3a: {  	_ = 	snop  }
0x3b: {  	_ = 	snop  }
0x3c: {  	p2 =	seq.s32 s10, $0x1;
	s10 =	sld [smem:$0x3FB6]  }
0x3d: {  	_ =	shalt  }
0x3e: {  	_ =	shalt  }
0x3f: {  	_ =	shalt  }
0x40: {  	_ =	shalt  }
0x41: {  	_ =	shalt  }
0x42: {  	_ =	shalt  }
0x43: {  	_ =	shalt  }
0x44: {  	_ =	shalt  }
0x45: {  	_ =	shalt  }
0x46: {  	_ =	shalt  }
0x47: {  	_ =	shalt  }
0x48: {  	_ =	shalt  }
0x49: {  	_ =	shalt  }
0x4a: {  	_ =	shalt  }
0x4b: {  	_ =	shalt  }
0x4c: {  	_ =	shalt  }
0x4d: {  	_ =	shalt  }
0x4e: {  	_ =	shalt  }
0x4f: {  	_ =	shalt  }
0x50: {  	_ =	shalt  }
0x51: {  	_ =	shalt  }
0x52: {  	_ =	shalt  }
0x53: {  	_ =	shalt  }
0x54: {  	_ =	shalt  }
0x55: {  	_ =	shalt  }
0x56: {  	_ =	shalt  }
0x57: {  	_ =	shalt  }
0x58: {  	_ =	shalt  }
0x59: {  	_ =	shalt  }
0x5a: {  	_ =	shalt  }
0x5b: {  	_ =	shalt  }
0x5c: {  	_ =	shalt  }
0x5d: {  	_ =	shalt  }
0x5e: {  	_ =	shalt  }
0x5f: {  	_ =	shalt  }
0x60: {  	_ =	shalt  }
0x61: {  	_ =	shalt  }
0x62: {  	_ =	shalt  }
0x63: {  	_ =	shalt  }
0x64: {  	_ =	shalt  }
0x65: {  	_ =	shalt  }
0x66: {  	_ =	shalt  }
0x67: {  	_ =	shalt  }
0x68: {  	_ =	shalt  }
0x69: {  	_ =	shalt  }
0x6a: {  	_ =	shalt  }
0x6b: {  	_ =	shalt  }
0x6c: {  	_ =	shalt  }
0x6d: {  	_ =	shalt  }
0x6e: {  	_ =	shalt  }
0x6f: {  	_ =	shalt  }
0x70: {  	_ =	shalt  }
0x71: {  	_ =	shalt  }
0x72: {  	_ =	shalt  }
0x73: {  	_ =	shalt  }
0x74: {  	_ =	shalt  }
0x75: {  	_ =	shalt  }
0x76: {  	_ =	shalt  }
0x77: {  	_ =	shalt  }
0x78: {  	_ =	shalt  }
0x79: {  	_ =	shalt  }
0x7a: {  	_ =	shalt  }
0x7b: {  	_ =	shalt  }
0x7c: {  	_ =	shalt  }
0x7d: {  	_ =	shalt  }
0x7e: {  	_ =	shalt  }
0x7f: {  	_ =	shalt  }
0x80: {  	_ =	shalt  }
0x81: {  	_ =	shalt  }
0x82: {  	_ =	shalt  }
0x83: {  	_ =	shalt  }
0x84: {  	_ =	shalt  }
0x85: {  	_ =	shalt  }
0x86: {  	_ =	shalt  }
0x87: {  	_ =	shalt  }
.Lfunc_end0:
.L_simem_size_0:
called_computation.1_lowered:
.L_overlay_start_0:
0x88: {  	s2 =	sld [smem:$0x3FD9]  }
0x89: {  	s3 =	sld [smem:$0x3FFE];
	_ =	sdelay $0x1  }
0x8a: {  	s1 =	srdreg.scid  }
0x8b: {  	s0 =	sand.u32 $0x1, s1  }
0x8c: {  	s16 =	sshll.u32 s0, $0xA;
	s2 =	sadd.s32 s3, s2  }
0x8d: {  	s2 =	sadd.s32 s2, s16  }
0x8e: {  	[smem:$0x3FC2] =	sst s2  }
0x8f: {  	_ = 	snop  }
0x90: {  	(tm) =	ssettm $0x1  }
0x91: {  	s17 =	sld [smem:$0x3FFB];
	_ =	sdelay $0x3  }
0x92: {  	_ =	strace s17  }
0x93: {  	s2 =	sld [smem:$0x3FFC];
	_ =	sdelay $0x3  }
0x94: {  	_ =	strace s2  }
0x95: {  	s2 =	sld [smem:$0x3FFD];
	_ =	sdelay $0x3  }
0x96: {  	_ =	strace s2  }
0x97: {  	_ =	strace $0x8FFFFFFF  }
0x98: {  	s18 =	sld [smem:$0x3FDB];
	_ =	sdelay $0x1  }
0x99: {  	s19 =	simm.s32 $_scs_section_size  }
0x9a: {  	s4 =	simm.s32 $_size__tile_overlayer_lowered;
	s5 =	simm.s32 $_tile_overlayer_lowered  }
0x9b: {  	s22 =	simm.s32 $0x1BFF;
	s21 =	sshll.u32 s5, $0x1;
	s2 =	sadd.s32 s19, s18  }
0x9c: {  	s6 =	simm.s32 $0x0;
	s20 =	sshll.u32 s4, $0x1;
	s4 =	sadd.s32 s21, s2  }
0x9d: {  	[timem:s6], [sflag:s22] =	dma.local [hbm:s4], s20  }
0x9e: {  	_ =	swait.ge [sflag:s22], s20  }
0x9f: {  	s3 =	ssub.s32 $0x0, s20;
	[sflag:s22] =	ssyncset.done $0x0  }
0xa0: {  	[sflag:s22] =	ssyncadd.s32 s3;
	_ =	sdelay $0x1  }
0xa1: {  	s23 =	simm.s32 $0x1B8B  }
0xa2: {  	_ =	swait.ge [sflag:s23], $0x1  }
0xa3: {  	[sflag:s23] =	ssyncset.done $0x0  }
0xa4: {  	s25 =	simm.s32 $0x1B8E;
	s24 =	sld [smem:$0x3FFE];
	[sflag:s23] =	ssyncadd.s32 $0xFFFFFFFF  }
0xa5: {  	s26 =	simm.s32 $execute0_lowered;
	[smem:$0x3FD2] =	sst s25  }
0xa6: {  	s4 =	sshll.u32 s26, $0x1;
	_ =	strace $0x80000049;
	[dreg:$0x1] =	wrdreg $0xFFFFFFFF  }
0xa7: {  	s28 =	simm.s32 $_size_execute0_lowered;
	s2 =	sadd.s32 s2, s4;
	[dreg:$0x0] =	wrdreg $0x0  }
0xa8: {  	s4 =	sshll.u32 s28, $0x1;
	[dreg:$0x2] =	wrdreg s2  }
0xa9: {  	[dreg:$0x3] =	wrdreg s4  }
0xaa: {  	[dreg:$0x4] =	wrdreg $0xC0  }
0xab: {  	_ =	task [dreg:s6], $0x5FFFF  }
0xac: {  	[dreg:$0x1] =	wrdreg $0xFFFFFFFF  }
0xad: {  	[dreg:$0x0] =	wrdreg $0x60  }
0xae: {  	[dreg:$0x2] =	wrdreg s24  }
0xaf: {  	[dreg:$0x3] =	wrdreg $0xE1A00  }
0xb0: {  	[dreg:$0x4] =	wrdreg $0x1F3100  }
0xb1: {  	[dreg:$0x5] =	wrdreg $0x9  }
0xb2: {  	_ =	task.clear_ibuf [dreg:s6], $0x6FFFF;
	_ =	strace $0x90000049  }
0xb3: {  	s29 =	simm.s32 $0x9;
	_ =	strace $0x8000004B  }
0xb4: {  	_ =	swait.ge [sflag:s29], $0x1  }
0xb5: {  	[sflag:s29] =	ssyncadd.s32 $0xFFFFFFFF  }
0xb6: {  	_ =	strace $0x9000004B  }
0xb7: {  	_ =	sfence  }
0xb8: {  	s30 =	sld [smem:$0x0];
	_ =	sdelay $0x2  }
0xb9: {  	s31 =	sshll.u32 s1, $0xD;
	s1 =	sshrl.u32 s1, $0x2  }
0xba: {  	s3 =	sand.u32 $0x4000, s31;
	s1 =	sadd.s32 s1, s30  }
0xbb: {  	s0 =	sor.u32 s3, s0;
	s1 =	sshll.u32 s1, $0x11  }
0xbc: {  	s0 =	sor.u32 s1, s0  }
0xbd: {  	s0 =	sadd.s32 $0x8F2B, s0  }
0xbe: {  	[sflag:s0] =	ssyncadd.remote.s32 $0x1  }
0xbf: {  	_ =	sfence.sel $0xFFFF  }
0xc0: {  	[dreg:$0x0] =	wrdreg $0xFFFFFFFF;
	(pc) =	sbr.abs _section_cstart, $3  }
0xc1: {  	[dreg:$0x1] =	wrdreg $0xFFFFFFFF  }
0xc2: {  	_ =	task.clear_ibuf [dreg:s6], $0x2FFFF;
	_ =	strace $0x9FFFFFFF  }
0xc3: {  	(tm) =	ssettm $0x7FFFFFFF  }
tec
execute0_lowered:
.L_overlay_start_1:
0x0: {  	(tag) =	ssettag $0x1  }
0x1: {  	s0 =	srdreg.scid;
	s1 =	rddreg [dreg:$0x0]  }
0x2: {  	s11 =	stileid.u32;
	s2 =	rddreg [dreg:$0x1]  }
0x3: {  	s28 =	simm.s32 $0x9830;
	s29 =	simm.s32 $0x1;
	s6 =	smul.u32 $0x11170, s11  }
0x4: {  	s30 =	simm.s32 $0xDE30;
	s0 =	sand.u32 $0x1, s0;
	s8 =	smul.u32 $0x280, s11  }
0x5: {  	s31 =	simm.s32 $0xBB30;
	s12 =	sadd.s32 $0x37200, s1;
	s7 =	smul.u32 $0x111700, s0  }
0x6: {  	s3 =	sshll.u32 s0, $0x4;
	s10 =	smul.u32 $0x2800, s0;
	s0 =	ssub.s32 $0x2, s0  }
0x7: {  	s4 =	sor.u32 s11, s3;
	s3 =	rddreg [dreg:$0x2];
	s11 =	smul.u32 $0x445C0, s11  }
0x8: {  	s20 =	sshrl.u32 s0, $0x1;
	s5 =	smul.u32 $0x4E2, s4;
	s4 =	simm.s32 $0x0  }
0x9: {  	s7 =	sadd.s32 s6, s7;
	s17 =	sadd.s32 s8, s10;
	s0 =	ssub.s32 s0, s20  }
0xa: {  	s15 =	sadd.s32 s8, s3;
	s8 =	simm.s32 $0x5;
	[smem:$0x7FF] =	sst s4  }
0xb: {  	s7 =	sshrl.u32 s7, $0x3;
	s19 =	sshrl.u32 s11, $0x2;
	s20 =	smax.u32 s0, $0x1  }
0xc: {  	s0 =	simm.s32 $0x3;
	_ =	strace $0x8000004A;
	s9 =	sadd.s32 s5, s1  }
0xd: {  	s5 =	sadd.s32 $0x14E00, s1;
	s18 =	sadd.s32 s7, s1;
	s7 =	sshrl.u32 s17, $0x3  }
0xe: {  	[dreg:$0x4] =	wrdreg s12;
	s10 =	sadd.s32 s19, s2;
	s1 =	sadd.s32 s7, s1  }
0xf: {  	s7 =	sadd.s32 s6, s2;
	s21 =	sadd.s32 $0x2300, s10;
	s22 =	sadd.s32 $0x4600, s10  }
0x10: {  	s23 =	sadd.s32 $0x6900, s10;
	s24 =	sadd.s32 $0x8C00, s10;
	[dreg:$0x5] =	wrdreg s21  }
0x11: {  	s25 =	sadd.s32 $0xAF00, s10;
	s26 =	sadd.s32 $0xD200, s10;
	[dreg:$0x6] =	wrdreg s22  }
0x12: {  	s14 =	sadd.s32 $0xF500, s10;
	s16 =	sadd.s32 $0xB000, s9;
	[dreg:$0x7] =	wrdreg s23  }
0x13: {  	s17 =	sadd.s32 $0x1200, s9;
	s18 =	sadd.s32 $0x37800, s18;
	[dreg:$0x8] =	wrdreg s24  }
0x14: {  	s6 =	simm.s32 $0xDED0;
	s9 =	simm.s32 $0x6;
	[dreg:$0x9] =	wrdreg s25  }
0x15: {  	[dreg:$0xa] =	wrdreg s26;
	s19 =	sadd.s32 $0x7BE00, s1;
	s21 =	simm.s32 $0x7530  }
0x16: {  	s22 =	simm.s32 $0x7;
	s25 =	simm.s32 $0x4E20;
	s26 =	simm.s32 $0x50  }
0x17: {  	v0 =	vimm.f32 $0.0e+00;
	s1 =	simm.s32 $0x2;
	s23 =	simm.s32 $0xDE80;
	s24 =	simm.s32 $0x4  }
.LBB2_1:
0x18: {  	s10 =	simm.s32 $0x0;
	s11 =	simm.s32 $0x1C0  }
.LBB2_2:
0x19: {  	p0 =	sne.s32 s11, $0x8A40;
	[tilespmem:s10+$0x7590] =	vst v0  }
0x1a: {  	[tilespmem:s10+$0x7530] =	vst v0  }
.Ltmp0:
0x1b: {  	[tilespmem:s10+$0x7540] =	vst v0;
	(pc) =	sbr.rel @p0 .LBB2_2-.Ltmp0, $4  }
0x1c: {  	[tilespmem:s10+$0x7550] =	vst v0  }
0x1d: {  	[tilespmem:s10+$0x7560] =	vst v0  }
0x1e: {  	[tilespmem:s10+$0x7570] =	vst v0  }
0x1f: {  	[tilespmem:s10+$0x7580] =	vst v0;
	s10 =	sshra.s32 s11, $0x2;
	s11 =	sadd.s32 $0x1C0, s11  }
0x20: {  	[tilespmem:s10+$0x7590] =	vst v0  }
0x21: {  	[tilespmem:s10+$0x7530] =	vst v0  }
0x22: {  	[tilespmem:s10+$0x7540] =	vst v0  }
0x23: {  	[tilespmem:s10+$0x7550] =	vst v0  }
0x24: {  	[tilespmem:s10+$0x7560] =	vst v0  }
0x25: {  	[tilespmem:s10+$0x7570] =	vst v0  }
0x26: {  	[tilespmem:s10+$0x7580] =	vst v0  }
0x27: {  	[tilespmem:$0xDF20] =	vst v0  }
0x28: {  	[tilespmem:$0xDF30] =	vst v0  }
0x29: {  	[tilespmem:$0xDF40] =	vst v0  }
0x2a: {  	[tilespmem:$0xDF50] =	vst v0  }
0x2b: {  	[tilespmem:$0xDF60] =	vst v0  }
0x2c: {  	[tilespmem:$0xDF70] =	vst v0  }
0x2d: {  	[tilespmem:$0xDF80] =	vst v0  }
0x2e: {  	[tilespmem:$0xDF90] =	vst v0  }
0x2f: {  	[tilespmem:$0xDFA0] =	vst v0  }
0x30: {  	[tilespmem:$0xDFB0] =	vst v0  }
0x31: {  	[tilespmem:$0xDFC0] =	vst v0  }
0x32: {  	[tilespmem:$0xDFD0] =	vst v0  }
0x33: {  	[tilespmem:$0xDFE0] =	vst v0  }
0x34: {  	[tilespmem:$0xDFF0] =	vst v0  }
0x35: {  	[tilespmem:$0xE000] =	vst v0  }
0x36: {  	[tilespmem:$0xE010] =	vst v0  }
0x37: {  	[tilespmem:$0xE020] =	vst v0  }
0x38: {  	[tilespmem:$0xE030] =	vst v0  }
0x39: {  	[tilespmem:$0xE040] =	vst v0  }
0x3a: {  	[tilespmem:$0xE050] =	vst v0  }
0x3b: {  	[tilespmem:$0xE060] =	vst v0  }
0x3c: {  	[tilespmem:$0xE070] =	vst v0  }
0x3d: {  	[tilespmem:$0xE080] =	vst v0  }
0x3e: {  	[tilespmem:$0xE090] =	vst v0  }
0x3f: {  	[tilespmem:$0xE0A0] =	vst v0  }
0x40: {  	[tilespmem:$0xE0B0] =	vst v0  }
0x41: {  	[tilespmem:$0xE0C0] =	vst v0  }
0x42: {  	[tilespmem:$0xE0D0] =	vst v0  }
0x43: {  	[tilespmem:$0xE0E0] =	vst v0  }
0x44: {  	[tilespmem:$0xE0F0] =	vst v0  }
0x45: {  	[tilespmem:$0xE100] =	vst v0  }
0x46: {  	[tilespmem:$0xE110] =	vst v0  }
0x47: {  	[tilespmem:$0xE120] =	vst v0  }
0x48: {  	[tilespmem:$0xE130] =	vst v0  }
0x49: {  	[tilespmem:$0xE140] =	vst v0  }
0x4a: {  	[tilespmem:$0xE150] =	vst v0  }
0x4b: {  	[tilespmem:$0xE160] =	vst v0  }
0x4c: {  	[tilespmem:$0xE170] =	vst v0  }
0x4d: {  	[tilespmem:$0xE180] =	vst v0  }
0x4e: {  	[tilespmem:$0xE190] =	vst v0  }
0x4f: {  	[spmem:s7] =	stream.linear.scatter [tilespmem:s21], [sflag:$0x7], $0x2300, $0x38;
	[tilespmem:$0x1F590] =	vst v63  }
0x50: {  	_ =	swait.ge [sflag:s22], $0x2300  }
0x51: {  	[sflag:s22] =	ssyncset.done $0x0  }
0x52: {  	s12 =	rddreg [dreg:$0x5];
	[sflag:s22] =	ssyncadd.s32 $0xFFFFDD00  }
0x53: {  	[spmem:s12] =	stream.linear.scatter [tilespmem:s21], [sflag:$0x7], $0x2300, $0x38;
	[tilespmem:$0x1F590] =	vst v63  }
0x54: {  	_ =	swait.ge [sflag:s22], $0x2300  }
0x55: {  	[sflag:s22] =	ssyncset.done $0x0  }
0x56: {  	s13 =	rddreg [dreg:$0x6];
	[sflag:s22] =	ssyncadd.s32 $0xFFFFDD00  }
0x57: {  	[spmem:s13] =	stream.linear.scatter [tilespmem:s21], [sflag:$0x7], $0x2300, $0x38;
	[tilespmem:$0x1F590] =	vst v63  }
0x58: {  	_ =	swait.ge [sflag:s22], $0x2300  }
0x59: {  	[sflag:s22] =	ssyncset.done $0x0  }
0x5a: {  	s11 =	rddreg [dreg:$0x7];
	[sflag:s22] =	ssyncadd.s32 $0xFFFFDD00  }
0x5b: {  	[spmem:s11] =	stream.linear.scatter [tilespmem:s21], [sflag:$0x7], $0x2300, $0x38;
	[tilespmem:$0x1F590] =	vst v63  }
0x5c: {  	_ =	swait.ge [sflag:s22], $0x2300  }
0x5d: {  	[sflag:s22] =	ssyncset.done $0x0  }
0x5e: {  	s12 =	rddreg [dreg:$0x8];
	[sflag:s22] =	ssyncadd.s32 $0xFFFFDD00  }
0x5f: {  	[spmem:s12] =	stream.linear.scatter [tilespmem:s21], [sflag:$0x7], $0x2300, $0x38;
	[tilespmem:$0x1F590] =	vst v63  }
0x60: {  	_ =	swait.ge [sflag:s22], $0x2300  }
0x61: {  	[sflag:s22] =	ssyncset.done $0x0  }
0x62: {  	s13 =	rddreg [dreg:$0x9];
	[sflag:s22] =	ssyncadd.s32 $0xFFFFDD00  }
0x63: {  	[spmem:s13] =	stream.linear.scatter [tilespmem:s21], [sflag:$0x7], $0x2300, $0x38;
	[tilespmem:$0x1F590] =	vst v63  }
0x64: {  	_ =	swait.ge [sflag:s22], $0x2300  }
0x65: {  	[sflag:s22] =	ssyncset.done $0x0  }
0x66: {  	s11 =	rddreg [dreg:$0xa];
	[sflag:s22] =	ssyncadd.s32 $0xFFFFDD00  }
0x67: {  	[spmem:s11] =	stream.linear.scatter [tilespmem:s21], [sflag:$0x7], $0x2300, $0x38;
	[tilespmem:$0x1F590] =	vst v63  }
0x68: {  	_ =	swait.ge [sflag:s22], $0x2300  }
0x69: {  	[sflag:s22] =	ssyncset.done $0x0  }
0x6a: {  	[sflag:s22] =	ssyncadd.s32 $0xFFFFDD00  }
0x6b: {  	[spmem:s14] =	stream.linear.scatter [tilespmem:s21], [sflag:$0x7], $0x1C70, $0x38;
	[tilespmem:$0x1F590] =	vst v63  }
0x6c: {  	_ =	swait.ge [sflag:s22], $0x1C70  }
0x6d: {  	[sflag:s22] =	ssyncset.done $0x0  }
0x6e: {  	s12 =	simm.s32 $0xDF20;
	[sflag:s22] =	ssyncadd.s32 $0xFFFFE390  }
0x6f: {  	[spmem:s15] =	stream.linear.scatter [tilespmem:s12], [sflag:$0x7], $0x280, $0x38;
	[tilespmem:$0x1F590] =	vst v63  }
0x70: {  	_ =	swait.ge [sflag:s22], $0x280  }
0x71: {  	[sflag:s22] =	ssyncset.done $0x0  }
0x72: {  	s10 =	simm.s32 $0x0;
	[sflag:s22] =	ssyncadd.s32 $0xFFFFFD80  }
0x73: {  	[tilespmem:s10], [sflag:$0x7] =	stream.linear.gather [hbm4b:s16+s10], $0x2710, $0x38;
	[tilespmem:$0x1F590] =	vst v63  }
0x74: {  	_ =	swait.ge [sflag:s22], $0x2710  }
0x75: {  	[sflag:s22] =	ssyncset.done $0x0  }
0x76: {  	s11 =	simm.s32 $0x2710;
	[sflag:s22] =	ssyncadd.s32 $0xFFFFD8F0  }
0x77: {  	[tilespmem:s11], [sflag:$0x7] =	stream.linear.gather [hbm4b:s17+s10], $0x2710, $0x38;
	[tilespmem:$0x1F590] =	vst v63  }
0x78: {  	_ =	swait.ge [sflag:s22], $0x2710  }
0x79: {  	[sflag:s22] =	ssyncset.done $0x0  }
0x7a: {  	s13 =	rddreg [dreg:$0x4];
	[sflag:s22] =	ssyncadd.s32 $0xFFFFD8F0  }
0x7b: {  	[tilespmem:s25], [sflag:$0x7] =	stream.linear.gather [hbm4b:s13+s10], $0x2710, $0x38;
	[tilespmem:$0x1F590] =	vst v63  }
0x7c: {  	_ =	swait.ge [sflag:s22], $0x2710  }
0x7d: {  	[sflag:s22] =	ssyncset.done $0x0  }
0x7e: {  	[sflag:s22] =	ssyncadd.s32 $0xFFFFD8F0  }
0x7f: {  	[bflag:$0x0] =	sbarrier.arrive $0xFFFF  }
0x80: {  	[tilespmem:s21], [sflag:$0x1] =	stream.indirect.gather [hbm4b:s5+s26], $0x70, s10, s26, $0xb8;
	[tilespmem:$0x1F590] =	vst v63  }
0x81: {  	_ = 	snop  }
0x82: {  	[tilespmem:s28], [sflag:$0x2] =	stream.indirect.gather [hbm4b:s5+s26], $0x70, s26, s26, $0xb8;
	[tilespmem:$0x1F590] =	vst v63  }
.LBB2_4:
0x83: {  	_ =	swait.ge [sflag:s29], $0x2300  }
0x84: {  	[sflag:s29] =	ssyncset.done $0x0  }
0x85: {  	s11 =	sshra.s32 s10, $0x2;
	[sflag:s29] =	ssyncadd.s32 $0xFFFFDD00  }
0x86: {  	v1 =	vld [tilespmem:s11+$0x2710];
	_ =	sdelay $0x7  }
0x87: {  	v1 =	vld.idx.msk [tilespmem:v1+s25+$0x0], $0xffff;
	_ =	sdelay $0x4  }
0x88: {  	[tilespmem:$0xDE30] =	vst v1  }
0x89: {  	v1 =	vld [tilespmem:s11+$0x2720];
	_ =	sdelay $0x7  }
0x8a: {  	v1 =	vld.idx.msk [tilespmem:v1+s25+$0x0], $0xffff;
	_ =	sdelay $0x4  }
0x8b: {  	[tilespmem:$0xDE40] =	vst v1  }
0x8c: {  	v1 =	vld [tilespmem:s11+$0x2730];
	_ =	sdelay $0x7  }
0x8d: {  	v1 =	vld.idx.msk [tilespmem:v1+s25+$0x0], $0xffff;
	_ =	sdelay $0x4  }
0x8e: {  	[tilespmem:$0xDE50] =	vst v1  }
0x8f: {  	v1 =	vld [tilespmem:s11+$0x2740];
	_ =	sdelay $0x7  }
0x90: {  	v1 =	vld.idx.msk [tilespmem:v1+s25+$0x0], $0xffff;
	_ =	sdelay $0x4  }
0x91: {  	[tilespmem:$0xDE60] =	vst v1  }
0x92: {  	v1 =	vld [tilespmem:s11+$0x2750];
	_ =	sdelay $0x7  }
0x93: {  	v1 =	vld.idx.msk [tilespmem:v1+s25+$0x0], $0xffff;
	_ =	sdelay $0x4  }
0x94: {  	p0 =	seq.s32 s10, $0x0;
	s12 =	sadd.s32 $0x2710, s11;
	[tilespmem:$0xDE70] =	vst v1  }
0x95: {  	[spmem:s2] =	stream.indirect.scatter.add.f32 [tilespmem:s21], [sflag:$0x4], $0x70, s12, s26, $0xb8;
	[tilespmem:$0x1F590] =	vst v63  }
0x96: {  	s12 =	simm.s32 @!p0 $0x6  }
0x97: {  	[spmem:s3] =	stream.indirect.scatter.add.f32 [tilespmem:s30], [sflag:$0x4], $0x1, s11, s26, $0xb8;
	[tilespmem:$0x1F590] =	vst v63  }
0x98: {  	_ =	swait.ge @!p0 [sflag:s12], $0x2300  }
0x99: {  	[sflag:s12] =	ssyncset.done @!p0 $0x0  }
0x9a: {  	[sflag:s12] =	ssyncadd.s32 @!p0 $0xFFFFDD00  }
0x9b: {  	_ =	swait.ge @!p0 [sflag:s12], $0x50  }
0x9c: {  	[sflag:s12] =	ssyncset.done @!p0 $0x0  }
0x9d: {  	[sflag:s12] =	ssyncadd.s32 @!p0 $0xFFFFFFB0;
	s12 =	sadd.s32 $0xA0, s11  }
0x9e: {  	[tilespmem:s31], [sflag:$0x3] =	stream.indirect.gather [hbm4b:s5+s26], $0x70, s12, s26, $0xb8;
	[tilespmem:$0x1F590] =	vst v63  }
0x9f: {  	_ =	swait.ge [sflag:s1], $0x2300  }
0xa0: {  	[sflag:s1] =	ssyncset.done $0x0  }
0xa1: {  	[sflag:s1] =	ssyncadd.s32 $0xFFFFDD00  }
0xa2: {  	v1 =	vld [tilespmem:s11+$0x2760];
	_ =	sdelay $0x7  }
0xa3: {  	v1 =	vld.idx.msk [tilespmem:v1+s25+$0x0], $0xffff;
	_ =	sdelay $0x4  }
0xa4: {  	[tilespmem:$0xDE80] =	vst v1  }
0xa5: {  	v1 =	vld [tilespmem:s11+$0x2770];
	_ =	sdelay $0x7  }
0xa6: {  	v1 =	vld.idx.msk [tilespmem:v1+s25+$0x0], $0xffff;
	_ =	sdelay $0x4  }
0xa7: {  	[tilespmem:$0xDE90] =	vst v1  }
0xa8: {  	v1 =	vld [tilespmem:s11+$0x2780];
	_ =	sdelay $0x7  }
0xa9: {  	v1 =	vld.idx.msk [tilespmem:v1+s25+$0x0], $0xffff;
	_ =	sdelay $0x4  }
0xaa: {  	[tilespmem:$0xDEA0] =	vst v1  }
0xab: {  	v1 =	vld [tilespmem:s11+$0x2790];
	_ =	sdelay $0x7  }
0xac: {  	v1 =	vld.idx.msk [tilespmem:v1+s25+$0x0], $0xffff;
	_ =	sdelay $0x4  }
0xad: {  	[tilespmem:$0xDEB0] =	vst v1  }
0xae: {  	v1 =	vld [tilespmem:s11+$0x27A0];
	_ =	sdelay $0x7  }
0xaf: {  	v1 =	vld.idx.msk [tilespmem:v1+s25+$0x0], $0xffff;
	_ =	sdelay $0x4  }
0xb0: {  	s13 =	sadd.s32 $0x2760, s11;
	[tilespmem:$0xDEC0] =	vst v1  }
0xb1: {  	[spmem:s2] =	stream.indirect.scatter.add.f32 [tilespmem:s28], [sflag:$0x5], $0x70, s13, s26, $0xb8;
	[tilespmem:$0x1F590] =	vst v63  }
0xb2: {  	s13 =	sadd.s32 $0x50, s11  }
0xb3: {  	[spmem:s3] =	stream.indirect.scatter.add.f32 [tilespmem:s23], [sflag:$0x5], $0x1, s13, s26, $0xb8;
	[tilespmem:$0x1F590] =	vst v63  }
0xb4: {  	_ =	swait.ge [sflag:s24], $0x2300  }
0xb5: {  	[sflag:s24] =	ssyncset.done $0x0  }
0xb6: {  	[sflag:s24] =	ssyncadd.s32 $0xFFFFDD00  }
0xb7: {  	_ =	swait.ge [sflag:s24], $0x50  }
0xb8: {  	[sflag:s24] =	ssyncset.done $0x0  }
0xb9: {  	s13 =	sadd.s32 $0xF0, s11;
	[sflag:s24] =	ssyncadd.s32 $0xFFFFFFB0  }
0xba: {  	[tilespmem:s21], [sflag:$0x1] =	stream.indirect.gather [hbm4b:s5+s26], $0x70, s13, s26, $0xb8;
	[tilespmem:$0x1F590] =	vst v63  }
0xbb: {  	_ =	swait.ge [sflag:s0], $0x2300  }
0xbc: {  	[sflag:s0] =	ssyncset.done $0x0  }
0xbd: {  	[sflag:s0] =	ssyncadd.s32 $0xFFFFDD00  }
0xbe: {  	v1 =	vld [tilespmem:s11+$0x27B0];
	_ =	sdelay $0x7  }
0xbf: {  	v1 =	vld.idx.msk [tilespmem:v1+s25+$0x0], $0xffff;
	_ =	sdelay $0x4  }
0xc0: {  	[tilespmem:$0xDED0] =	vst v1  }
0xc1: {  	v1 =	vld [tilespmem:s11+$0x27C0];
	_ =	sdelay $0x7  }
0xc2: {  	v1 =	vld.idx.msk [tilespmem:v1+s25+$0x0], $0xffff;
	_ =	sdelay $0x4  }
0xc3: {  	[tilespmem:$0xDEE0] =	vst v1  }
0xc4: {  	v1 =	vld [tilespmem:s11+$0x27D0];
	_ =	sdelay $0x7  }
0xc5: {  	v1 =	vld.idx.msk [tilespmem:v1+s25+$0x0], $0xffff;
	_ =	sdelay $0x4  }
0xc6: {  	[tilespmem:$0xDEF0] =	vst v1  }
0xc7: {  	v1 =	vld [tilespmem:s11+$0x27E0];
	_ =	sdelay $0x7  }
0xc8: {  	v1 =	vld.idx.msk [tilespmem:v1+s25+$0x0], $0xffff;
	_ =	sdelay $0x4  }
0xc9: {  	[tilespmem:$0xDF00] =	vst v1  }
0xca: {  	v1 =	vld [tilespmem:s11+$0x27F0];
	_ =	sdelay $0x7  }
0xcb: {  	v1 =	vld.idx.msk [tilespmem:v1+s25+$0x0], $0xffff;
	_ =	sdelay $0x4  }
0xcc: {  	s13 =	sadd.s32 $0x27B0, s11;
	[tilespmem:$0xDF10] =	vst v1  }
0xcd: {  	[spmem:s2] =	stream.indirect.scatter.add.f32 [tilespmem:s31], [sflag:$0x6], $0x70, s13, s26, $0xb8;
	[tilespmem:$0x1F590] =	vst v63  }
0xce: {  	_ = 	snop  }
0xcf: {  	[spmem:s3] =	stream.indirect.scatter.add.f32 [tilespmem:s6], [sflag:$0x6], $0x1, s12, s26, $0xb8;
	[tilespmem:$0x1F590] =	vst v63  }
0xd0: {  	s10 =	sadd.s32 $0x3C0, s10;
	_ =	swait.ge [sflag:s8], $0x2300  }
0xd1: {  	p0 =	sne.s32 s10, $0x99C0;
	[sflag:s8] =	ssyncset.done $0x0  }
.Ltmp1:
0xd2: {  	[sflag:s8] =	ssyncadd.s32 $0xFFFFDD00;
	(pc) =	sbr.rel @p0 .LBB2_4-.Ltmp1, $4  }
0xd3: {  	_ =	swait.ge [sflag:s8], $0x50  }
0xd4: {  	[sflag:s8] =	ssyncset.done $0x0  }
0xd5: {  	s11 =	sadd.s32 $0x140, s11;
	[sflag:s8] =	ssyncadd.s32 $0xFFFFFFB0  }
0xd6: {  	[tilespmem:s28], [sflag:$0x2] =	stream.indirect.gather [hbm4b:s5+s26], $0x70, s11, s26, $0xb8;
	[tilespmem:$0x1F590] =	vst v63  }
0xd7: {  	_ =	swait.ge [sflag:s29], $0x2300  }
0xd8: {  	[sflag:s29] =	ssyncset.done $0x0  }
0xd9: {  	[sflag:s29] =	ssyncadd.s32 $0xFFFFDD00  }
0xda: {  	v1 =	vld [tilespmem:$0x4D80];
	_ =	sdelay $0x5  }
0xdb: {  	v2 =	vld [tilespmem:$0x4D90];
	_ =	sdelay $0x1  }
0xdc: {  	v1 =	vld.idx.msk [tilespmem:v1+s25+$0x0], $0xffff;
	_ =	sdelay $0x3  }
0xdd: {  	v3 =	vld [tilespmem:$0x4DA0]  }
0xde: {  	[tilespmem:$0xDE30] =	vst v1  }
0xdf: {  	v1 =	vld.idx.msk [tilespmem:v2+s25+$0x0], $0xffff;
	_ =	sdelay $0x3  }
0xe0: {  	v2 =	vld [tilespmem:$0x4DB0]  }
0xe1: {  	[tilespmem:$0xDE40] =	vst v1  }
0xe2: {  	v1 =	vld.idx.msk [tilespmem:v3+s25+$0x0], $0xffff;
	_ =	sdelay $0x3  }
0xe3: {  	v3 =	vld [tilespmem:$0x4DC0]  }
0xe4: {  	[tilespmem:$0xDE50] =	vst v1  }
0xe5: {  	v1 =	vld.idx.msk [tilespmem:v2+s25+$0x0], $0xffff;
	_ =	sdelay $0x4  }
0xe6: {  	[tilespmem:$0xDE60] =	vst v1  }
0xe7: {  	v1 =	vld.idx.msk [tilespmem:v3+s25+$0x0], $0xffff;
	_ =	sdelay $0x4  }
0xe8: {  	s10 =	simm.s32 $0x4D80;
	[tilespmem:$0xDE70] =	vst v1  }
0xe9: {  	[spmem:s2] =	stream.indirect.scatter.add.f32 [tilespmem:s21], [sflag:$0x4], $0x70, s10, s26, $0xb8;
	[tilespmem:$0x1F590] =	vst v63  }
0xea: {  	s12 =	simm.s32 $0x2670  }
0xeb: {  	[spmem:s3] =	stream.indirect.scatter.add.f32 [tilespmem:s30], [sflag:$0x4], $0x1, s12, s26, $0xb8;
	[tilespmem:$0x1F590] =	vst v63  }
0xec: {  	_ =	swait.ge [sflag:s1], $0x2300  }
0xed: {  	[sflag:s1] =	ssyncset.done $0x0  }
0xee: {  	[sflag:s1] =	ssyncadd.s32 $0xFFFFDD00  }
0xef: {  	v1 =	vld [tilespmem:$0x4DD0];
	_ =	sdelay $0x5  }
0xf0: {  	v2 =	vld [tilespmem:$0x4DE0];
	_ =	sdelay $0x1  }
0xf1: {  	v1 =	vld.idx.msk [tilespmem:v1+s25+$0x0], $0xffff;
	_ =	sdelay $0x3  }
0xf2: {  	v3 =	vld [tilespmem:$0x4DF0]  }
0xf3: {  	[tilespmem:$0xDE80] =	vst v1  }
0xf4: {  	v1 =	vld.idx.msk [tilespmem:v2+s25+$0x0], $0xffff;
	_ =	sdelay $0x3  }
0xf5: {  	v2 =	vld [tilespmem:$0x4E00]  }
0xf6: {  	[tilespmem:$0xDE90] =	vst v1  }
0xf7: {  	v1 =	vld.idx.msk [tilespmem:v3+s25+$0x0], $0xffff;
	_ =	sdelay $0x3  }
0xf8: {  	v3 =	vld [tilespmem:$0x4E10]  }
0xf9: {  	[tilespmem:$0xDEA0] =	vst v1  }
0xfa: {  	v1 =	vld.idx.msk [tilespmem:v2+s25+$0x0], $0xffff;
	_ =	sdelay $0x4  }
0xfb: {  	[tilespmem:$0xDEB0] =	vst v1  }
0xfc: {  	v1 =	vld.idx.msk [tilespmem:v3+s25+$0x0], $0xffff;
	_ =	sdelay $0x4  }
0xfd: {  	s13 =	simm.s32 $0x4DD0;
	[tilespmem:$0xDEC0] =	vst v1  }
0xfe: {  	[spmem:s2] =	stream.indirect.scatter.add.f32 [tilespmem:s28], [sflag:$0x5], $0x70, s13, s26, $0xb8;
	[tilespmem:$0x1F590] =	vst v63  }
0xff: {  	s11 =	simm.s32 $0x26C0  }
0x100: {  	[spmem:s3] =	stream.indirect.scatter.add.f32 [tilespmem:s23], [sflag:$0x5], $0x1, s11, s26, $0xb8;
	[tilespmem:$0x1F590] =	vst v63  }
0x101: {  	_ =	swait.ge [sflag:s24], $0x2300  }
0x102: {  	[sflag:s24] =	ssyncset.done $0x0  }
0x103: {  	[sflag:s24] =	ssyncadd.s32 $0xFFFFDD00  }
0x104: {  	_ =	swait.ge [sflag:s24], $0x50  }
0x105: {  	[sflag:s24] =	ssyncset.done $0x0  }
0x106: {  	[sflag:s24] =	ssyncadd.s32 $0xFFFFFFB0  }
0x107: {  	_ =	swait.ge [sflag:s8], $0x2300  }
0x108: {  	[sflag:s8] =	ssyncset.done $0x0  }
0x109: {  	[sflag:s8] =	ssyncadd.s32 $0xFFFFDD00  }
0x10a: {  	_ =	swait.ge [sflag:s8], $0x50  }
0x10b: {  	[sflag:s8] =	ssyncset.done $0x0  }
0x10c: {  	[sflag:s8] =	ssyncadd.s32 $0xFFFFFFB0  }
0x10d: {  	_ =	swait.ge [sflag:s9], $0x2300  }
0x10e: {  	[sflag:s9] =	ssyncset.done $0x0  }
0x10f: {  	[sflag:s9] =	ssyncadd.s32 $0xFFFFDD00  }
0x110: {  	_ =	swait.ge [sflag:s9], $0x50  }
0x111: {  	s12 =	stileid.u32;
	[sflag:s9] =	ssyncset.done $0x0  }
0x112: {  	s10 =	sshll.u32 s12, $0x6;
	[sflag:s9] =	ssyncadd.s32 $0xFFFFFFB0  }
0x113: {  	s10 =	sor.u32 $0x1C07, s10;
	s11 =	sshrl.u32 s7, $0x3;
	[bflag:$0x0] =	sbarrier.arrive $0xFFFF  }
0x114: {  	[hbm:s18], [sflag:s10] =	dma.local [spmem:s11], $0x222E  }
0x115: {  	s4 =	sadd.s32 $0x1, s4;
	_ =	swait.ge [sflag:s22], $0x222E  }
0x116: {  	p0 =	sne.s32 s4, s20;
	[sflag:s22] =	ssyncset.done $0x0  }
.Ltmp2:
0x117: {  	s13 =	sshrl.u32 s15, $0x3;
	[sflag:s22] =	ssyncadd.s32 $0xFFFFDDD2;
	(pc) =	sbr.rel @p0 .LBB2_1-.Ltmp2, $4  }
0x118: {  	[hbm:s19], [sflag:s10] =	dma.local [spmem:s13], $0x50  }
0x119: {  	_ =	swait.ge [sflag:s22], $0x50  }
0x11a: {  	[sflag:s22] =	ssyncset.done $0x0  }
0x11b: {  	[sflag:s22] =	ssyncadd.s32 $0xFFFFFFB0  }
0x11c: {  	_ =	sfence.sel $0x180000  }
0x11d: {  	[bflag:$0x0] =	sbarrier.arrive $0xFFFF  }
0x11e: {  	_ =	strace $0x9000004A  }
0x11f: {  	s0 =	stileid.u32;
	[bflag:$0x2] =	sbarrier.arrive $0xFFFF  }
0x120: {  	p0 =	sne.s32 s0, $0x0;
	s0 =	rddreg [dreg:$0x3]  }
0x121: {  	s0 =	sadd.s32 @!p0 $0x100000, s0  }
0x122: {  	[sflag:s0] =	ssyncadd.tile.s32 @!p0 $0x1;
	_ =	shalt  }
.Lfunc_end2:
_tile_overlayer_lowered:
.L_overlay_start_2:
0x123: {  	(tag) =	ssettag $0x2  }
0x124: {  	s0 =	rddreg [dreg:$0x0];
	s2 =	stileid.u32  }
0x125: {  	s1 =	rddreg [dreg:$0x1];
	p0 =	sne.s32 s2, $0x0  }
0x126: {  	s3 =	rddreg [dreg:$0x2];
	[bflag:$0x3] =	sbarrier.arrive $0xFFFF;
	s2 =	simm.s32 @!p0 $0x1C07  }
0x127: {  	[timem:s3], [sflag:s2] =	dma.local @!p0 [hbm:s0], s1  }
0x128: {  	s0 =	simm.s32 @!p0 $0x7  }
0x129: {  	_ =	swait.ge @!p0 [sflag:s0], s1  }
0x12a: {  	s1 =	ssub.s32 @!p0 $0x0, s1;
	[sflag:s0] =	ssyncset.done @!p0 $0x0  }
0x12b: {  	[sflag:s0] =	ssyncadd.s32 @!p0 s1  }
0x12c: {  	[bflag:$0x3] =	sbarrier.arrive $0xFFFF  }
0x12d: {  	_ =	shalt  }

// kernel: kernel.7.cloned.1.call-start
scs
__scs_entry_jumppad:
0x0: {  	(pc) =	sbr.rel $0x88, $3  }
0x1: {  	(tag) =	ssettag $0x0;
	lr =	simm.s32 $0x1  }
0x2: {  	[smem:$0x3F9B] =	sst lr;
	_ =	strace $0xD0000000  }
0x3: {  	_ = 	snop  }
0x4: {  	_ = 	snop  }
0x5: {  	_ = 	snop  }
0x6: {  	_ = 	snop  }
0x7: {  	_ = 	snop  }
__scs_overlays_trampoline_lowered:
0x8: {  	[smem:$0x3FAA] =	sst s0  }
0x9: {  	[smem:$0x3FAB] =	sst s1  }
0xa: {  	[smem:$0x3FAC] =	sst s2  }
0xb: {  	[smem:$0x3FAD] =	sst s3  }
0xc: {  	[smem:$0x3FAE] =	sst s4  }
0xd: {  	[smem:$0x3FAF] =	sst s5  }
0xe: {  	[smem:$0x3FB0] =	sst s6  }
0xf: {  	[smem:$0x3FB1] =	sst s7  }
0x10: {  	[smem:$0x3FB2] =	sst s8  }
0x11: {  	[smem:$0x3FB3] =	sst s9;
	s0 =	simm.s32 @!p0 $0x0  }
0x12: {  	s1 =	sld [smem:$0x3F99];
	s0 =	simm.s32 @p0 $0x1  }
0x13: {  	[smem:$0x3FB4] =	sst s0;
	s0 =	simm.s32 @!p1 $0x0  }
0x14: {  	s2 =	sld [smem:$0x3F98];
	s0 =	simm.s32 @p1 $0x1  }
0x15: {  	[smem:$0x3FB5] =	sst s0;
	s0 =	simm.s32 @!p2 $0x0  }
0x16: {  	s3 =	sld [smem:$0x3FDB];
	s0 =	simm.s32 @p2 $0x1  }
0x17: {  	s4 =	simm.s32 $0x1BF5;
	[smem:$0x3FB7] =	sst s0  }
0x18: {  	s0 =	sld [smem:$0x3F9A];
	_ =	swait.ge [sflag:s4], $0x0  }
0x19: {  	s7 =	sld [smem:$0x3F9B]  }
0x1a: {  	s8 =	sadd.s32 $0xFFFFE003, lr  }
0x1b: {  	s9 =	sadd.s32 $0xFFFFFEF7, lr;
	s5 =	simm.s32 $0xFFFFFFFF;
	p2 =	slt.u32 s8, $0xFFFFF086  }
0x1c: {  	p1 =	slt.u32 s9, $0xF7A;
	s5 =	simm.s32 @!p2 $0x0  }
0x1d: {  	s5 =	simm.s32 @p1 $0x1;
	p0 =	seq.s32 s7, s2  }
0x1e: {  	s7 =	smul.u32 @!p0 $0xF7A, s2;
	p2 =	seq.s32 @!p0 s5, $0x0  }
0x1f: {  	s9 =	smul.u32 $0xF7A, s1;
	s8 =	simm.s32 @!p0 $0x1BF5;
	p2 =	por !p2, p0  }
0x20: {  	[sflag:s8] =	ssyncset.s32 @!p0 $0xFFFFF086;
	s6 =	sadd.s32 @!p0 s3, s7;
	s7 =	simm.s32 @!p0 $0x108  }
0x21: {  	s3 =	sadd.s32 s3, s9;
	s6 =	sadd.s32 @!p0 $0x88, s6;
	s7 =	simm.s32 @p2 $0x1082  }
0x22: {  	[simem:s7], [sflag:s8] =	dma.local @!p0 [hbm:s6], $0xF7A  }
0x23: {  	s9 =	sor.u32 $0xD0000000, s2;
	s6 =	simm.s32 $0x108;
	_ =	swait.ge @!p0 [sflag:s8], $0x0  }
0x24: {  	s3 =	sadd.s32 $0x88, s3;
	s6 =	simm.s32 @!p1 $0x1082;
	[sflag:s4] =	ssyncset.s32 $0xFFFFF086  }
0x25: {  	[simem:s6], [sflag:s4] =	dma.local [hbm:s3], $0xF7A  }
0x26: {  	[smem:$0x3F9B] =	sst s1;
	(tag) =	ssettag s2;
	_ =	strace s9  }
0x27: {  	s1 =	sld [smem:$0x3FAB]  }
0x28: {  	s2 =	sld [smem:$0x3FAC]  }
0x29: {  	s4 =	sld [smem:$0x3FAE]  }
0x2a: {  	p0 =	seq.s32 s5, $0x0;
	s5 =	sld [smem:$0x3FAF]  }
0x2b: {  	s6 =	sld [smem:$0x3FB0]  }
0x2c: {  	s7 =	sld [smem:$0x3FB1]  }
0x2d: {  	s3 =	simm.s32 $0x108;
	s8 =	sld [smem:$0x3FB2]  }
0x2e: {  	s3 =	simm.s32 @!p0 $0x1082;
	s9 =	sld [smem:$0x3FB3]  }
0x2f: {  	lr =	sadd.s32 s0, s3;
	s0 =	sld [smem:$0x3FAA]  }
0x30: {  	s3 =	sld [smem:$0x3FAD]  }
0x31: {  	[smem:$0x3FB6] =	sst s10  }
0x32: {  	s10 =	sld [smem:$0x3FB4];
	_ =	sdelay $0x3  }
0x33: {  	p0 =	seq.s32 s10, $0x1;
	s10 =	sld [smem:$0x3FB6];
	_ =	sdelay $0x3  }
0x34: {  	[smem:$0x3FB6] =	sst s10  }
0x35: {  	s10 =	sld [smem:$0x3FB5];
	_ =	sdelay $0x3  }
0x36: {  	p1 =	seq.s32 s10, $0x1;
	s10 =	sld [smem:$0x3FB6];
	_ =	sdelay $0x3  }
0x37: {  	[smem:$0x3FB6] =	sst s10  }
0x38: {  	s10 =	sld [smem:$0x3FB7]  }
0x39: {  	_ = 	snop;
	(pc) =	sbr.ind lr, $3  }
0x3a: {  	_ = 	snop  }
0x3b: {  	_ = 	snop  }
0x3c: {  	p2 =	seq.s32 s10, $0x1;
	s10 =	sld [smem:$0x3FB6]  }
0x3d: {  	_ =	shalt  }
0x3e: {  	_ =	shalt  }
0x3f: {  	_ =	shalt  }
0x40: {  	_ =	shalt  }
0x41: {  	_ =	shalt  }
0x42: {  	_ =	shalt  }
0x43: {  	_ =	shalt  }
0x44: {  	_ =	shalt  }
0x45: {  	_ =	shalt  }
0x46: {  	_ =	shalt  }
0x47: {  	_ =	shalt  }
0x48: {  	_ =	shalt  }
0x49: {  	_ =	shalt  }
0x4a: {  	_ =	shalt  }
0x4b: {  	_ =	shalt  }
0x4c: {  	_ =	shalt  }
0x4d: {  	_ =	shalt  }
0x4e: {  	_ =	shalt  }
0x4f: {  	_ =	shalt  }
0x50: {  	_ =	shalt  }
0x51: {  	_ =	shalt  }
0x52: {  	_ =	shalt  }
0x53: {  	_ =	shalt  }
0x54: {  	_ =	shalt  }
0x55: {  	_ =	shalt  }
0x56: {  	_ =	shalt  }
0x57: {  	_ =	shalt  }
0x58: {  	_ =	shalt  }
0x59: {  	_ =	shalt  }
0x5a: {  	_ =	shalt  }
0x5b: {  	_ =	shalt  }
0x5c: {  	_ =	shalt  }
0x5d: {  	_ =	shalt  }
0x5e: {  	_ =	shalt  }
0x5f: {  	_ =	shalt  }
0x60: {  	_ =	shalt  }
0x61: {  	_ =	shalt  }
0x62: {  	_ =	shalt  }
0x63: {  	_ =	shalt  }
0x64: {  	_ =	shalt  }
0x65: {  	_ =	shalt  }
0x66: {  	_ =	shalt  }
0x67: {  	_ =	shalt  }
0x68: {  	_ =	shalt  }
0x69: {  	_ =	shalt  }
0x6a: {  	_ =	shalt  }
0x6b: {  	_ =	shalt  }
0x6c: {  	_ =	shalt  }
0x6d: {  	_ =	shalt  }
0x6e: {  	_ =	shalt  }
0x6f: {  	_ =	shalt  }
0x70: {  	_ =	shalt  }
0x71: {  	_ =	shalt  }
0x72: {  	_ =	shalt  }
0x73: {  	_ =	shalt  }
0x74: {  	_ =	shalt  }
0x75: {  	_ =	shalt  }
0x76: {  	_ =	shalt  }
0x77: {  	_ =	shalt  }
0x78: {  	_ =	shalt  }
0x79: {  	_ =	shalt  }
0x7a: {  	_ =	shalt  }
0x7b: {  	_ =	shalt  }
0x7c: {  	_ =	shalt  }
0x7d: {  	_ =	shalt  }
0x7e: {  	_ =	shalt  }
0x7f: {  	_ =	shalt  }
0x80: {  	_ =	shalt  }
0x81: {  	_ =	shalt  }
0x82: {  	_ =	shalt  }
0x83: {  	_ =	shalt  }
0x84: {  	_ =	shalt  }
0x85: {  	_ =	shalt  }
0x86: {  	_ =	shalt  }
0x87: {  	_ =	shalt  }
.Lfunc_end0:
.L_simem_size_0:
called_computation_lowered:
.L_overlay_start_0:
0x88: {  	s2 =	sld [smem:$0x3FD9]  }
0x89: {  	s3 =	sld [smem:$0x3FFE];
	_ =	sdelay $0x1  }
0x8a: {  	s1 =	srdreg.scid  }
0x8b: {  	s0 =	sand.u32 $0x1, s1  }
0x8c: {  	s16 =	sshll.u32 s0, $0xA;
	s2 =	sadd.s32 s3, s2  }
0x8d: {  	s2 =	sadd.s32 s2, s16  }
0x8e: {  	[smem:$0x3FC2] =	sst s2  }
0x8f: {  	_ = 	snop  }
0x90: {  	(tm) =	ssettm $0x1  }
0x91: {  	s17 =	sld [smem:$0x3FFB];
	_ =	sdelay $0x3  }
0x92: {  	_ =	strace s17  }
0x93: {  	s2 =	sld [smem:$0x3FFC];
	_ =	sdelay $0x3  }
0x94: {  	_ =	strace s2  }
0x95: {  	s2 =	sld [smem:$0x3FFD];
	_ =	sdelay $0x3  }
0x96: {  	_ =	strace s2  }
0x97: {  	_ =	strace $0x8FFFFFFF  }
0x98: {  	s18 =	sld [smem:$0x3FDB];
	_ =	sdelay $0x1  }
0x99: {  	s19 =	simm.s32 $_scs_section_size  }
0x9a: {  	s4 =	simm.s32 $_size__tile_overlayer_lowered;
	s5 =	simm.s32 $_tile_overlayer_lowered  }
0x9b: {  	s22 =	simm.s32 $0x1BFF;
	s21 =	sshll.u32 s5, $0x1;
	s2 =	sadd.s32 s19, s18  }
0x9c: {  	s6 =	simm.s32 $0x0;
	s20 =	sshll.u32 s4, $0x1;
	s4 =	sadd.s32 s21, s2  }
0x9d: {  	[timem:s6], [sflag:s22] =	dma.local [hbm:s4], s20  }
0x9e: {  	_ =	swait.ge [sflag:s22], s20  }
0x9f: {  	s3 =	ssub.s32 $0x0, s20;
	[sflag:s22] =	ssyncset.done $0x0  }
0xa0: {  	[sflag:s22] =	ssyncadd.s32 s3;
	_ =	sdelay $0x1  }
0xa1: {  	s23 =	simm.s32 $0x1B8B  }
0xa2: {  	_ =	swait.ge [sflag:s23], $0x1  }
0xa3: {  	[sflag:s23] =	ssyncset.done $0x0  }
0xa4: {  	s25 =	simm.s32 $0x1B8E;
	s24 =	sld [smem:$0x3FFE];
	[sflag:s23] =	ssyncadd.s32 $0xFFFFFFFF  }
0xa5: {  	s26 =	simm.s32 $execute0_lowered;
	[smem:$0x3FD2] =	sst s25  }
0xa6: {  	s4 =	sshll.u32 s26, $0x1;
	_ =	strace $0x80000046;
	[dreg:$0x1] =	wrdreg $0xFFFFFFFF  }
0xa7: {  	s28 =	simm.s32 $_size_execute0_lowered;
	s2 =	sadd.s32 s2, s4;
	[dreg:$0x0] =	wrdreg $0x0  }
0xa8: {  	s4 =	sshll.u32 s28, $0x1;
	[dreg:$0x2] =	wrdreg s2  }
0xa9: {  	[dreg:$0x3] =	wrdreg s4  }
0xaa: {  	[dreg:$0x4] =	wrdreg $0xC0  }
0xab: {  	_ =	task [dreg:s6], $0x5FFFF  }
0xac: {  	[dreg:$0x1] =	wrdreg $0xFFFFFFFF  }
0xad: {  	[dreg:$0x0] =	wrdreg $0x60  }
0xae: {  	[dreg:$0x2] =	wrdreg s24  }
0xaf: {  	[dreg:$0x3] =	wrdreg $0x29900  }
0xb0: {  	[dreg:$0x4] =	wrdreg $0x9  }
0xb1: {  	_ =	task.clear_ibuf [dreg:s6], $0x5FFFF;
	_ =	strace $0x90000046  }
0xb2: {  	s29 =	simm.s32 $0x9;
	_ =	strace $0x80000048  }
0xb3: {  	_ =	swait.ge [sflag:s29], $0x1  }
0xb4: {  	[sflag:s29] =	ssyncadd.s32 $0xFFFFFFFF  }
0xb5: {  	_ =	strace $0x90000048  }
0xb6: {  	_ =	sfence  }
0xb7: {  	s30 =	sld [smem:$0x0];
	_ =	sdelay $0x2  }
0xb8: {  	s31 =	sshll.u32 s1, $0xD;
	s1 =	sshrl.u32 s1, $0x2  }
0xb9: {  	s3 =	sand.u32 $0x4000, s31;
	s1 =	sadd.s32 s1, s30  }
0xba: {  	s0 =	sor.u32 s3, s0;
	s1 =	sshll.u32 s1, $0x11  }
0xbb: {  	s0 =	sor.u32 s1, s0  }
0xbc: {  	s0 =	sadd.s32 $0x8F2B, s0  }
0xbd: {  	[sflag:s0] =	ssyncadd.remote.s32 $0x1  }
0xbe: {  	_ =	sfence.sel $0xFFFF  }
0xbf: {  	[dreg:$0x0] =	wrdreg $0xFFFFFFFF;
	(pc) =	sbr.abs _section_cstart, $3  }
0xc0: {  	[dreg:$0x1] =	wrdreg $0xFFFFFFFF  }
0xc1: {  	_ =	task.clear_ibuf [dreg:s6], $0x2FFFF;
	_ =	strace $0x9FFFFFFF  }
0xc2: {  	(tm) =	ssettm $0x7FFFFFFF  }
0xc3: {  	_ =	shalt  }
tec
execute0_lowered:
.L_overlay_start_1:
0x0: {  	(tag) =	ssettag $0x1  }
0x1: {  	s1 =	srdreg.scid;
	s4 =	rddreg [dreg:$0x0]  }
0x2: {  	s0 =	stileid.u32;
	s2 =	rddreg [dreg:$0x1];
	s3 =	simm.s32 $0x0  }
0x3: {  	s10 =	simm.s32 $0x50;
	s5 =	sand.u32 $0x1, s1;
	s1 =	rddreg [dreg:$0x2]  }
0x4: {  	s13 =	simm.s32 $0x0;
	s6 =	smul.u32 $0x280, s0;
	[smem:$0x7FF] =	sst s3  }
0x5: {  	s11 =	sshll.u32 s0, $0x6;
	s7 =	sshll.u32 s5, $0x4;
	s8 =	smul.u32 $0x2800, s5  }
0x6: {  	_ =	strace $0x80000047;
	s5 =	ssub.s32 $0x2, s5;
	s7 =	sor.u32 s0, s7  }
0x7: {  	s31 =	sshrl.u32 s5, $0x1;
	s7 =	smul.u32 $0x4E2, s7;
	s8 =	sadd.s32 s6, s8  }
0x8: {  	s11 =	sor.u32 $0x1C01, s11;
	s9 =	ssub.s32 s5, s31;
	s8 =	sshrl.u32 s8, $0x3  }
0x9: {  	s7 =	sadd.s32 s7, s4;
	s8 =	sadd.s32 s8, s4;
	s4 =	sadd.s32 s6, s2  }
0xa: {  	s5 =	sadd.s32 $0x1200, s7;
	s6 =	sadd.s32 $0x14E00, s8;
	s7 =	smax.u32 s9, $0x1  }
0xb: {  	v0 =	vimm.f32 $0.0e+00;
	v1 =	vimm.f32 $1.000000000e+00;
	s8 =	simm.s32 $0x2710;
	s9 =	simm.s32 $0x1;
	s12 =	sshrl.u32 s4, $0x3  }
.LBB2_1:
0xc: {  	[tilespmem:$0x2710] =	vst v0  }
0xd: {  	[tilespmem:$0x2720] =	vst v0  }
0xe: {  	[tilespmem:$0x2730] =	vst v0  }
0xf: {  	[tilespmem:$0x2740] =	vst v0  }
0x10: {  	[tilespmem:$0x2750] =	vst v0  }
0x11: {  	[tilespmem:$0x2760] =	vst v0  }
0x12: {  	[tilespmem:$0x2770] =	vst v0  }
0x13: {  	[tilespmem:$0x2780] =	vst v0  }
0x14: {  	[tilespmem:$0x2790] =	vst v0  }
0x15: {  	[tilespmem:$0x27A0] =	vst v0  }
0x16: {  	[tilespmem:$0x27B0] =	vst v0  }
0x17: {  	[tilespmem:$0x27C0] =	vst v0  }
0x18: {  	[tilespmem:$0x27D0] =	vst v0  }
0x19: {  	[tilespmem:$0x27E0] =	vst v0  }
0x1a: {  	[tilespmem:$0x27F0] =	vst v0  }
0x1b: {  	[tilespmem:$0x2800] =	vst v0  }
0x1c: {  	[tilespmem:$0x2810] =	vst v0  }
0x1d: {  	[tilespmem:$0x2820] =	vst v0  }
0x1e: {  	[tilespmem:$0x2830] =	vst v0  }
0x1f: {  	[tilespmem:$0x2840] =	vst v0  }
0x20: {  	[tilespmem:$0x2850] =	vst v0  }
0x21: {  	[tilespmem:$0x2860] =	vst v0  }
0x22: {  	[tilespmem:$0x2870] =	vst v0  }
0x23: {  	[tilespmem:$0x2880] =	vst v0  }
0x24: {  	[tilespmem:$0x2890] =	vst v0  }
0x25: {  	[tilespmem:$0x28A0] =	vst v0  }
0x26: {  	[tilespmem:$0x28B0] =	vst v0  }
0x27: {  	[tilespmem:$0x28C0] =	vst v0  }
0x28: {  	[tilespmem:$0x28D0] =	vst v0  }
0x29: {  	[tilespmem:$0x28E0] =	vst v0  }
0x2a: {  	[tilespmem:$0x28F0] =	vst v0  }
0x2b: {  	[tilespmem:$0x2900] =	vst v0  }
0x2c: {  	[tilespmem:$0x2910] =	vst v0  }
0x2d: {  	[tilespmem:$0x2920] =	vst v0  }
0x2e: {  	[tilespmem:$0x2930] =	vst v0  }
0x2f: {  	[tilespmem:$0x2940] =	vst v0  }
0x30: {  	[tilespmem:$0x2950] =	vst v0  }
0x31: {  	[tilespmem:$0x2960] =	vst v0  }
0x32: {  	[tilespmem:$0x2970] =	vst v0  }
0x33: {  	[tilespmem:$0x2980] =	vst v0  }
0x34: {  	[spmem:s4] =	stream.linear.scatter [tilespmem:s8], [sflag:$0x1], $0x280, $0x38;
	[tilespmem:$0x2C10] =	vst v63  }
0x35: {  	_ =	swait.ge [sflag:s9], $0x280  }
0x36: {  	[sflag:s9] =	ssyncset.done $0x0  }
0x37: {  	[sflag:s9] =	ssyncadd.s32 $0xFFFFFD80  }
0x38: {  	[tilespmem:s3], [sflag:$0x1] =	stream.linear.gather [hbm4b:s5+s3], $0x2710, $0x38;
	[tilespmem:$0x2C10] =	vst v63  }
0x39: {  	_ =	swait.ge [sflag:s9], $0x2710  }
0x3a: {  	[sflag:s9] =	ssyncset.done $0x0  }
0x3b: {  	[sflag:s9] =	ssyncadd.s32 $0xFFFFD8F0  }
0x3c: {  	[tilespmem:$0x2710] =	vst v1  }
0x3d: {  	[tilespmem:$0x2720] =	vst v1  }
0x3e: {  	[tilespmem:$0x2730] =	vst v1  }
0x3f: {  	[tilespmem:$0x2740] =	vst v1  }
0x40: {  	[tilespmem:$0x2750] =	vst v1  }
0x41: {  	s14 =	simm.s32 $0x0;
	[bflag:$0x0] =	sbarrier.arrive $0xFFFF  }
0x42: {  	[spmem:s2] =	stream.indirect.scatter.add.f32 [tilespmem:s8], [sflag:$0x1], $0x1, s14, s10, $0xb8;
	[tilespmem:$0x2C10] =	vst v63  }
0x43: {  	_ =	swait.ge [sflag:s9], $0x50  }
0x44: {  	s14 =	simm.s32 $0x140;
	[sflag:s9] =	ssyncset.done $0x0  }
.LBB2_2:
0x45: {  	s15 =	sshra.s32 s14, $0x2;
	[sflag:s9] =	ssyncadd.s32 $0xFFFFFFB0;
	p0 =	sne.s32 s14, $0x9B00  }
0x46: {  	[spmem:s2] =	stream.indirect.scatter.add.f32 [tilespmem:s8], [sflag:$0x1], $0x1, s15, s10, $0xb8;
	[tilespmem:$0x2C10] =	vst v63  }
.Ltmp0:
0x47: {  	_ = 	snop;
	(pc) =	sbr.rel @p0 .LBB2_2-.Ltmp0, $4  }
0x48: {  	_ = 	snop  }
0x49: {  	s14 =	sadd.s32 $0x140, s14  }
0x4a: {  	_ =	swait.ge [sflag:s9], $0x50  }
0x4b: {  	[sflag:s9] =	ssyncset.done $0x0  }
0x4c: {  	s13 =	sadd.s32 $0x1, s13  }
0x4d: {  	[sflag:s9] =	ssyncadd.s32 $0xFFFFFFB0;
	p0 =	sne.s32 s13, s7  }
.Ltmp1:
0x4e: {  	[bflag:$0x0] =	sbarrier.arrive $0xFFFF;
	(pc) =	sbr.rel @p0 .LBB2_1-.Ltmp1, $4  }
0x4f: {  	[hbm:s6], [sflag:s11] =	dma.local [spmem:s12], $0x50  }
0x50: {  	_ =	swait.ge [sflag:s9], $0x50  }
0x51: {  	[sflag:s9] =	ssyncset.done $0x0  }
0x52: {  	[sflag:s9] =	ssyncadd.s32 $0xFFFFFFB0  }
0x53: {  	_ =	sfence.sel $0x180000  }
0x54: {  	[bflag:$0x0] =	sbarrier.arrive $0xFFFF  }
0x55: {  	p0 =	sne.s32 s0, $0x0;
	_ =	strace $0x90000047  }
0x56: {  	s0 =	sadd.s32 @!p0 $0x100000, s1;
	[bflag:$0x2] =	sbarrier.arrive $0xFFFF  }
0x57: {  	[sflag:s0] =	ssyncadd.tile.s32 @!p0 $0x1;
	_ =	shalt  }
.Lfunc_end2:
_tile_overlayer_lowered:
.L_overlay_start_2:
0x58: {  	(tag) =	ssettag $0x2  }
0x59: {  	s0 =	rddreg [dreg:$0x0];
	s2 =	stileid.u32  }
0x5a: {  	s1 =	rddreg [dreg:$0x1];
	p0 =	sne.s32 s2, $0x0  }
0x5b: {  	s3 =	rddreg [dreg:$0x2];
	[bflag:$0x3] =	sbarrier.arrive $0xFFFF;
	s2 =	simm.s32 @!p0 $0x1C01  }
0x5c: {  	[timem:s3], [sflag:s2] =	dma.local @!p0 [hbm:s0], s1  }
0x5d: {  	s0 =	simm.s32 @!p0 $0x1  }
0x5e: {  	_ =	swait.ge @!p0 [sflag:s0], s1  }
0x5f: {  	s1 =	ssub.s32 @!p0 $0x0, s1;
	[sflag:s0] =	ssyncset.done @!p0 $0x0  }
0x60: {  	[sflag:s0] =	ssyncadd.s32 @!p0 s1  }
0x61: {  	[bflag:$0x3] =	sbarrier.arrive $0xFFFF  }
0x62: {  	_ =	shalt  }

</sc_bundles>
